<compile_context>
chip_gen: v7x
topology: tpu7x:2x2x1
jax: 0.10.2.dev20260603
libtpu: 0.0.44.dev20260713+nightly
codegen_flags: <defaults>
</compile_context>

<pallas_src>
import functools

import jax
import jax.numpy as jnp
from jax import lax
from jax.experimental import pallas as pl
from jax.experimental.pallas import tpu as pltpu
from jax.experimental.pallas import tpu_sc as plsc

N = 10000
E = 320000
D = 128

NC = 2
NS = 16
NW = NC * NS
EPW = E // NW
CH = 128
NFULL = EPW // CH
REM = EPW - NFULL * CH
NPAD = 10240
RPT = NPAD // NS
V = 16

_mesh = plsc.VectorSubcoreMesh(core_axis_name="c", subcore_axis_name="s")
_sc_params = pltpu.CompilerParams(needs_layout_passes=False)


def _zero_vmem(ref, n):
    zeros = jnp.zeros((V,), jnp.float32)

    def _z(i, _):
        ref[pl.ds(i * V, V)] = zeros
        return 0

    lax.fori_loop(0, n // V, _z, 0)


NCHUNK = E // CH
NJ = -(-NCHUNK // NW)
DEG_NBUF = 4


def _deg_body(ei_hbm, z_hbm, scnt_out, dcnt_out, idxb, ones, acc, acc_d, isem, ssem, dsem):
    c = lax.axis_index("c")
    s = lax.axis_index("s")
    w = s * NC + c

    one = jnp.ones((V,), jnp.float32)

    def _o(i, _):
        ones[pl.ds(i * V, V)] = one
        return 0

    lax.fori_loop(0, CH // V, _o, 0)
    pltpu.sync_copy(z_hbm, acc.at[pl.ds(s * RPT, RPT)])
    pltpu.sync_copy(z_hbm, acc_d.at[pl.ds(s * RPT, RPT)])
    plsc.subcore_barrier()

    def _cid(j):
        return w + j * NW

    def _start_idx(j, b):
        pltpu.async_copy(ei_hbm.at[:, pl.ds(_cid(j) * CH, CH)], idxb.at[b],
                         isem.at[b])

    def _wait_idx(j, b):
        pltpu.make_async_copy(ei_hbm.at[:, pl.ds(_cid(j) * CH, CH)],
                              idxb.at[b], isem.at[b]).wait()

    def _start_scat(b):
        pltpu.async_copy(ones, acc.at[idxb.at[b, 0]], ssem.at[b], add=True)
        pltpu.async_copy(ones, acc_d.at[idxb.at[b, 1]], dsem.at[b], add=True)

    def _wait_scat(b):
        pltpu.make_async_copy(ones, acc.at[idxb.at[b, 0]],
                              ssem.at[b]).wait()
        pltpu.make_async_copy(ones, acc_d.at[idxb.at[b, 1]],
                              dsem.at[b]).wait()

    for t in range(2):
        @pl.when(_cid(t) < NCHUNK)
        def _():
            _start_idx(t, t)

    def _step(j, _):
        b = lax.rem(j, DEG_NBUF)
        fb = lax.rem(j + 2, DEG_NBUF)

        @pl.when(_cid(j + 2) < NCHUNK)
        def _():
            @pl.when(j >= 2)
            def _():
                _wait_scat(fb)
            _start_idx(j + 2, fb)

        @pl.when(_cid(j) < NCHUNK)
        def _():
            _wait_idx(j, b)
            _start_scat(b)

        return 0

    lax.fori_loop(0, NJ, _step, 0)

    def _deg_drain(j, _):
        @pl.when(jnp.logical_and(_cid(j) < NCHUNK,
                                 _cid(j + 4) >= NCHUNK))
        def _():
            _wait_scat(lax.rem(j, DEG_NBUF))
        return 0

    lax.fori_loop(NJ - 5, NJ, _deg_drain, 0)

    plsc.subcore_barrier()
    pltpu.sync_copy(acc.at[pl.ds(s * RPT, RPT)],
                    scnt_out.at[c, pl.ds(s * RPT, RPT)])
    pltpu.sync_copy(acc_d.at[pl.ds(s * RPT, RPT)],
                    dcnt_out.at[c, pl.ds(s * RPT, RPT)])


_deg_call = pl.kernel(
    _deg_body,
    out_type=(
        jax.ShapeDtypeStruct((NC, NPAD), jnp.float32),
        jax.ShapeDtypeStruct((NC, NPAD), jnp.float32),
    ),
    mesh=_mesh,
    scratch_types=[
        pltpu.VMEM((DEG_NBUF, 2, CH), jnp.int32),
        pltpu.VMEM((CH,), jnp.float32),
        pltpu.VMEM_SHARED((NPAD,), jnp.float32),
        pltpu.VMEM_SHARED((NPAD,), jnp.float32),
        pltpu.SemaphoreType.DMA((DEG_NBUF,)),
        pltpu.SemaphoreType.DMA((DEG_NBUF,)),
        pltpu.SemaphoreType.DMA((DEG_NBUF,)),
    ],
    compiler_params=_sc_params,
)


NBUF = 2
NIB = 3


def _agg_body(q_hbm, ei_hbm, agg_out,
              idxb, rows, acc, isem, gsem, ssem):
    c = lax.axis_index("c")
    s = lax.axis_index("s")
    w = s * NC + c

    zeros = jnp.zeros((V,), jnp.float32)

    def _z0(i, _):
        def _z1(j, _):
            rows[0, i, pl.ds(j * V, V)] = zeros
            return 0
        lax.fori_loop(0, D // V, _z1, 0)
        return 0

    lax.fori_loop(0, CH, _z0, 0)
    for k in range(RPT // CH):
        pltpu.sync_copy(rows.at[0], acc.at[pl.ds(s * RPT + k * CH, CH)])
    plsc.subcore_barrier()

    def _cid(j):
        return w + j * NW

    def _start_idx(j, bi):
        pltpu.async_copy(ei_hbm.at[:, pl.ds(_cid(j) * CH, CH)], idxb.at[bi],
                         isem.at[bi])

    def _wait_idx(j, bi):
        pltpu.make_async_copy(ei_hbm.at[:, pl.ds(_cid(j) * CH, CH)],
                              idxb.at[bi], isem.at[bi]).wait()

    def _start_gather(bi, br):
        pltpu.async_copy(q_hbm.at[idxb.at[bi, 0]], rows.at[br], gsem.at[br])

    def _wait_gather(bi, br):
        pltpu.make_async_copy(q_hbm.at[idxb.at[bi, 0]], rows.at[br],
                              gsem.at[br]).wait()

    def _start_scat(bi, br):
        pltpu.async_copy(rows.at[br], acc.at[idxb.at[bi, 1]], ssem.at[br],
                         add=True)

    def _wait_scat(bi, br):
        pltpu.make_async_copy(rows.at[br], acc.at[idxb.at[bi, 1]],
                              ssem.at[br]).wait()

    for t in range(NIB - 1):
        @pl.when(_cid(t) < NCHUNK)
        def _():
            _start_idx(t, t)

    @pl.when(_cid(0) < NCHUNK)
    def _():
        _wait_idx(0, 0)
        _start_gather(0, 0)

    def _step(j, _):
        br = lax.rem(j, NBUF)
        nbr = lax.rem(j + 1, NBUF)
        bi = lax.rem(j, NIB)
        nbi = lax.rem(j + 1, NIB)
        pbi = lax.rem(j + NIB - 1, NIB)

        @pl.when(_cid(j + 1) < NCHUNK)
        def _():
            @pl.when(j >= 1)
            def _():
                _wait_scat(pbi, nbr)
            _wait_idx(j + 1, nbi)
            _start_gather(nbi, nbr)

        @pl.when(_cid(j) < NCHUNK)
        def _():
            _wait_gather(bi, br)
            _start_scat(bi, br)

        @pl.when(_cid(j + 2) < NCHUNK)
        def _():
            _start_idx(j + 2, pbi)

        return 0

    lax.fori_loop(0, NJ, _step, 0)

    def _drain(j, _):
        @pl.when(jnp.logical_and(_cid(j) < NCHUNK,
                                 _cid(j + 2) >= NCHUNK))
        def _():
            _wait_scat(lax.rem(j, NIB), lax.rem(j, NBUF))
        return 0

    lax.fori_loop(NJ - 3, NJ, _drain, 0)

    plsc.subcore_barrier()
    pltpu.sync_copy(acc.at[pl.ds(s * RPT, RPT)],
                    agg_out.at[c, pl.ds(s * RPT, RPT)])


_agg_call = pl.kernel(
    _agg_body,
    out_type=jax.ShapeDtypeStruct((NC, NPAD, D), jnp.float32),
    mesh=_mesh,
    scratch_types=[
        pltpu.VMEM((NIB, 2, CH), jnp.int32),
        pltpu.VMEM((NBUF, CH, D), jnp.float32),
        pltpu.VMEM_SHARED((NPAD, D), jnp.float32),
        pltpu.SemaphoreType.DMA((NIB,)),
        pltpu.SemaphoreType.DMA((NBUF,)),
        pltpu.SemaphoreType.DMA((NBUF,)),
    ],
    compiler_params=_sc_params,
)


_RB = 2048


def _mm_body(f_ref, c_ref, w_ref, o_ref):
    cnt = jnp.transpose(jnp.sum(c_ref[...], axis=0, keepdims=True))
    ns = 1.0 / jnp.sqrt(jnp.maximum(cnt, 1.0))
    o_ref[...] = jnp.dot(f_ref[...] * ns, w_ref[...],
                         preferred_element_type=jnp.float32)


_mm_call = pl.pallas_call(
    _mm_body,
    grid=(NPAD // _RB,),
    in_specs=[
        pl.BlockSpec((_RB, D), lambda i: (i, 0)),
        pl.BlockSpec((NC, _RB), lambda i: (0, i)),
        pl.BlockSpec((D, D), lambda i: (0, 0)),
    ],
    out_specs=pl.BlockSpec((_RB, D), lambda i: (i, 0)),
    out_shape=jax.ShapeDtypeStruct((N, D), jnp.float32),
)


def _fin_body(a_ref, b_ref, c_ref, bias_ref, o_ref):
    cnt = jnp.transpose(jnp.sum(c_ref[...], axis=0, keepdims=True))
    nd = 1.0 / jnp.sqrt(jnp.maximum(cnt, 1.0))
    o_ref[...] = (a_ref[0] + b_ref[0]) * nd + bias_ref[...]


_fin_call = pl.pallas_call(
    _fin_body,
    grid=(NPAD // _RB,),
    in_specs=[
        pl.BlockSpec((1, _RB, D), lambda i: (0, i, 0)),
        pl.BlockSpec((1, _RB, D), lambda i: (1, i, 0)),
        pl.BlockSpec((NC, _RB), lambda i: (0, i)),
        pl.BlockSpec((1, D), lambda i: (0, 0)),
    ],
    out_specs=pl.BlockSpec((_RB, D), lambda i: (i, 0)),
    out_shape=jax.ShapeDtypeStruct((N, D), jnp.float32),
)


def kernel(feat, edge_index, weight, bias):
    zcol = jnp.zeros((RPT,), jnp.float32)
    scnt, dcnt = _deg_call(edge_index, zcol)
    q = _mm_call(feat, scnt, weight)
    agg = _agg_call(q, edge_index)
    return _fin_call(agg, agg, dcnt, bias.reshape(1, D))

# --- scband reference (transcript-rebuilt; emitter-appended) ---
"""Pipeline reference for scband-gcngraph-37056977830253 (READ-ONLY COPY).

The authoritative reference and input builder live on the scoring server;
editing this copy changes nothing except your own understanding.
"""

import jax, jax.numpy as jnp
import numpy as np

N = 10000
E = 320000
D_IN = 128
D_OUT = 128


def setup_inputs(seed: int = 0) -> dict:
    key = jax.random.key(seed)
    k1, k2, k3, k4 = jax.random.split(key, 4)
    feat = jax.random.normal(k1, (N, D_IN), dtype=jnp.float32)
    edge_index = jax.random.randint(k2, (2, E), 0, N, dtype=jnp.int32)
    # xavier_uniform init for weight [in_feats, out_feats]
    limit = float(np.sqrt(6.0 / (D_IN + D_OUT)))
    weight = jax.random.uniform(k3, (D_IN, D_OUT), dtype=jnp.float32, minval=-limit, maxval=limit)
    bias = jnp.zeros((D_OUT,), dtype=jnp.float32)
    return {"feat": feat, "edge_index": edge_index, "weight": weight, "bias": bias}


def reference(feat, edge_index, weight, bias):
    src = edge_index[0]
    dst = edge_index[1]
    # symmetric GCN normalization (norm='both')
    out_deg = jnp.zeros((N,), dtype=jnp.float32).at[src].add(1.0)
    out_deg = jnp.clip(out_deg, 1.0, None)
    norm_src = jnp.power(out_deg, -0.5)
    h = feat * norm_src[:, None]
    # message passing: copy_u + sum aggregation (scatter-add over dst)
    agg = jnp.zeros((N, D_IN), dtype=feat.dtype).at[dst].add(h[src])
    # in_feats == out_feats -> aggregate first, then transform
    rst = agg @ weight
    in_deg = jnp.zeros((N,), dtype=jnp.float32).at[dst].add(1.0)
    in_deg = jnp.clip(in_deg, 1.0, None)
    norm_dst = jnp.power(in_deg, -0.5)
    rst = rst * norm_dst[:, None]
    rst = rst + bias
    return rst

if __name__ == "__main__":
    import jax
    _d = setup_inputs()
    print(jax.jit(kernel)(*tuple(_d.values())))

</pallas_src>

<mosaic_0001>
#map = affine_map<(d0, d1) -> (0, 0)>
#map1 = affine_map<(d0, d1) -> (0, 0, 0)>
module attributes {stable_mosaic.version = 14 : i64} {
  func.func @_agg_body(%arg0: i32, %arg1: i32, %arg2: memref<10000x128xf32, #tpu.memory_space<hbm>>, %arg3: memref<2x320000xi32, #tpu.memory_space<hbm>>, %arg4: memref<2x10240x128xf32, #tpu.memory_space<hbm>>, %arg5: memref<3x2x128xi32, #tpu.memory_space<vmem>>, %arg6: memref<2x128x128xf32, #tpu.memory_space<vmem>>, %arg7: memref<10240x128xf32, #tpu.memory_space<vmem_shared>>, %arg8: memref<3x!tpu.dma_semaphore, #tpu.memory_space<semaphore_mem>>, %arg9: memref<2x!tpu.dma_semaphore, #tpu.memory_space<semaphore_mem>>, %arg10: memref<2x!tpu.dma_semaphore, #tpu.memory_space<semaphore_mem>>) attributes {dimension_semantics = [#tpu.dimension_semantics<core_parallel>, #tpu.dimension_semantics<subcore_parallel>], iteration_bounds = array<i64: 2, 16>, scalar_prefetch = 0 : i64, scratch_operands = 6 : i64, tpu.core_type = #tpu.core_type<sc_vector_subcore>, window_params = [{transform_indices = #map}, {transform_indices = #map}, {transform_indices = #map1}]} {
    %mul3A = arith.constant 2 : i32
    %mul3A_0 = arith.muli %arg1, %mul3A : i32
    %add3A = arith.addi %mul3A_0, %arg0 : i32
    %broadcast_in_dim3A = arith.constant 0.000000e+00 : f32
    %broadcast_in_dim3A_1 = vector.broadcast %broadcast_in_dim3A : f32 to vector<16xf32>
    %scan3A = arith.constant 0 : i32
    %scan3A_2 = arith.constant 0 : i32
    %scan3A_3 = arith.constant 128 : i32
    %scan3A_4 = arith.addi %scan3A_2, %scan3A_3 : i32
    %scan3A_5 = arith.constant 1 : i32
    %scan3A_6 = scf.for %scan3A_69 = %scan3A_2 to %scan3A_4 step %scan3A_5 iter_args(%scan3A_70 = %scan3A) -> (i32)  : i32 {
      %scan3A_71 = arith.constant 0 : i32
      %scan3A_72 = arith.constant 0 : i32
      %scan3A_73 = arith.constant 8 : i32
      %scan3A_74 = arith.addi %scan3A_72, %scan3A_73 : i32
      %scan3A_75 = arith.constant 1 : i32
      %scan3A_76 = scf.for %scan3A_79 = %scan3A_72 to %scan3A_74 step %scan3A_75 iter_args(%scan3A_80 = %scan3A_71) -> (i32)  : i32 {
        %mul3A_81 = arith.constant 16 : i32
        %mul3A_82 = arith.muli %scan3A_79, %mul3A_81 : i32
        %swap3A = arith.constant 0 : i32
        %swap3A_83 = arith.index_cast %swap3A : i32 to index
        %swap3A_84 = arith.index_cast %scan3A_69 : i32 to index
        %swap3A_85 = arith.index_cast %mul3A_82 : i32 to index
        %swap3A_86 = tpu.vector_load %arg6[%swap3A_83, %swap3A_84, %swap3A_85] {strides = array<i32>} : memref<2x128x128xf32, #tpu.memory_space<vmem>>, vector<16xf32>,
        tpu.vector_store %arg6[%swap3A_83, %swap3A_84, %swap3A_85], %broadcast_in_dim3A_1 {strides = array<i32>} : memref<2x128x128xf32, #tpu.memory_space<vmem>>, vector<16xf32>,
        %scan3A_87 = arith.constant 0 : i32
        scf.yield %scan3A_87 : i32
      }
      %scan3A_77 = arith.constant 8 : i32
      %scan3A_78 = arith.constant 0 : i32
      scf.yield %scan3A_78 : i32
    }
    %scan3A_7 = arith.constant 128 : i32
    %mul3A_8 = arith.constant 640 : i32
    %mul3A_9 = arith.muli %arg1, %mul3A_8 : i32
    %add3A_10 = arith.constant 0 : i32
    %add3A_11 = arith.addi %mul3A_9, %add3A_10 : i32
    %run_scoped3A = arith.constant 0 : i32
    "tpu.region"() ({
      %run_scoped3A_69 = tpu.sem_alloc : memref<!tpu.dma_semaphore, #tpu.memory_space<semaphore_mem>>
      %dma_start3A = arith.constant 0 : i32
      %dma_start3A_70 = arith.constant 0 : i32
      %dma_start3A_71 = tpu.memref_slice %arg6[%run_scoped3A, %dma_start3A, %dma_start3A_70] : memref<2x128x128xf32, #tpu.memory_space<vmem>> -> memref<1x128x128xf32, #tpu.memory_space<vmem>>
      %dma_start3A_72 = tpu.memref_squeeze %dma_start3A_71 : memref<1x128x128xf32, #tpu.memory_space<vmem>> -> memref<128x128xf32, #tpu.memory_space<vmem>>
      %dma_start3A_73 = arith.constant 0 : i32
      %dma_start3A_74 = tpu.memref_slice %arg7[%add3A_11, %dma_start3A_73] : memref<10240x128xf32, #tpu.memory_space<vmem_shared>> -> memref<128x128xf32, #tpu.memory_space<vmem_shared>>
      %dma_start3A_75 = arith.constant 0 : i32
      %dma_start3A_76 = tpu.memref_slice %arg7[%add3A_11, %dma_start3A_75] : memref<10240x128xf32, #tpu.memory_space<vmem_shared>> -> memref<128x128xf32, #tpu.memory_space<vmem_shared>>
      %dma_start3A_77 = arith.constant 0 : i32
      %dma_start3A_78 = arith.constant 0 : i32
      %dma_start3A_79 = tpu.memref_slice %arg6[%run_scoped3A, %dma_start3A_77, %dma_start3A_78] : memref<2x128x128xf32, #tpu.memory_space<vmem>> -> memref<1x128x128xf32, #tpu.memory_space<vmem>>
      %dma_start3A_80 = tpu.memref_squeeze %dma_start3A_79 : memref<1x128x128xf32, #tpu.memory_space<vmem>> -> memref<128x128xf32, #tpu.memory_space<vmem>>
      tpu.enqueue_dma source(%dma_start3A_80 : memref<128x128xf32, #tpu.memory_space<vmem>>) target(%dma_start3A_76 : memref<128x128xf32, #tpu.memory_space<vmem_shared>>) target_semaphore(%run_scoped3A_69 : memref<!tpu.dma_semaphore, #tpu.memory_space<semaphore_mem>>)
      %dma_wait3A = arith.constant 0 : i32
      %dma_wait3A_81 = arith.constant 0 : i32
      %dma_wait3A_82 = tpu.memref_slice %arg6[%run_scoped3A, %dma_wait3A, %dma_wait3A_81] : memref<2x128x128xf32, #tpu.memory_space<vmem>> -> memref<1x128x128xf32, #tpu.memory_space<vmem>>
      %dma_wait3A_83 = tpu.memref_squeeze %dma_wait3A_82 : memref<1x128x128xf32, #tpu.memory_space<vmem>> -> memref<128x128xf32, #tpu.memory_space<vmem>>
      %dma_wait3A_84 = arith.constant 0 : i32
      %dma_wait3A_85 = tpu.memref_slice %arg7[%add3A_11, %dma_wait3A_84] : memref<10240x128xf32, #tpu.memory_space<vmem_shared>> -> memref<128x128xf32, #tpu.memory_space<vmem_shared>>
      %dma_wait3A_86 = arith.constant 0 : i32
      %dma_wait3A_87 = tpu.memref_slice %arg7[%add3A_11, %dma_wait3A_86] : memref<10240x128xf32, #tpu.memory_space<vmem_shared>> -> memref<128x128xf32, #tpu.memory_space<vmem_shared>>
      %dma_wait3A_88 = arith.constant 0 : i32
      %dma_wait3A_89 = arith.constant 0 : i32
      %dma_wait3A_90 = tpu.memref_slice %arg6[%run_scoped3A, %dma_wait3A_88, %dma_wait3A_89] : memref<2x128x128xf32, #tpu.memory_space<vmem>> -> memref<1x128x128xf32, #tpu.memory_space<vmem>>
      %dma_wait3A_91 = tpu.memref_squeeze %dma_wait3A_90 : memref<1x128x128xf32, #tpu.memory_space<vmem>> -> memref<128x128xf32, #tpu.memory_space<vmem>>
      tpu.wait_dma2 semaphore(%run_scoped3A_69 : memref<!tpu.dma_semaphore, #tpu.memory_space<semaphore_mem>>) src(%dma_wait3A_91 : memref<128x128xf32, #tpu.memory_space<vmem>>) dst(%dma_wait3A_87 : memref<128x128xf32, #tpu.memory_space<vmem_shared>>)
      tpu.yield
    }) : () -> ()
    %mul3A_12 = arith.constant 640 : i32
    %mul3A_13 = arith.muli %arg1, %mul3A_12 : i32
    %add3A_14 = arith.constant 128 : i32
    %add3A_15 = arith.addi %mul3A_13, %add3A_14 : i32
    %run_scoped3A_16 = arith.constant 0 : i32
    "tpu.region"() ({
      %run_scoped3A_69 = tpu.sem_alloc : memref<!tpu.dma_semaphore, #tpu.memory_space<semaphore_mem>>
      %dma_start3A = arith.constant 0 : i32
      %dma_start3A_70 = arith.constant 0 : i32
      %dma_start3A_71 = tpu.memref_slice %arg6[%run_scoped3A_16, %dma_start3A, %dma_start3A_70] : memref<2x128x128xf32, #tpu.memory_space<vmem>> -> memref<1x128x128xf32, #tpu.memory_space<vmem>>
      %dma_start3A_72 = tpu.memref_squeeze %dma_start3A_71 : memref<1x128x128xf32, #tpu.memory_space<vmem>> -> memref<128x128xf32, #tpu.memory_space<vmem>>
      %dma_start3A_73 = arith.constant 0 : i32
      %dma_start3A_74 = tpu.memref_slice %arg7[%add3A_15, %dma_start3A_73] : memref<10240x128xf32, #tpu.memory_space<vmem_shared>> -> memref<128x128xf32, #tpu.memory_space<vmem_shared>>
      %dma_start3A_75 = arith.constant 0 : i32
      %dma_start3A_76 = tpu.memref_slice %arg7[%add3A_15, %dma_start3A_75] : memref<10240x128xf32, #tpu.memory_space<vmem_shared>> -> memref<128x128xf32, #tpu.memory_space<vmem_shared>>
      %dma_start3A_77 = arith.constant 0 : i32
      %dma_start3A_78 = arith.constant 0 : i32
      %dma_start3A_79 = tpu.memref_slice %arg6[%run_scoped3A_16, %dma_start3A_77, %dma_start3A_78] : memref<2x128x128xf32, #tpu.memory_space<vmem>> -> memref<1x128x128xf32, #tpu.memory_space<vmem>>
      %dma_start3A_80 = tpu.memref_squeeze %dma_start3A_79 : memref<1x128x128xf32, #tpu.memory_space<vmem>> -> memref<128x128xf32, #tpu.memory_space<vmem>>
      tpu.enqueue_dma source(%dma_start3A_80 : memref<128x128xf32, #tpu.memory_space<vmem>>) target(%dma_start3A_76 : memref<128x128xf32, #tpu.memory_space<vmem_shared>>) target_semaphore(%run_scoped3A_69 : memref<!tpu.dma_semaphore, #tpu.memory_space<semaphore_mem>>)
      %dma_wait3A = arith.constant 0 : i32
      %dma_wait3A_81 = arith.constant 0 : i32
      %dma_wait3A_82 = tpu.memref_slice %arg6[%run_scoped3A_16, %dma_wait3A, %dma_wait3A_81] : memref<2x128x128xf32, #tpu.memory_space<vmem>> -> memref<1x128x128xf32, #tpu.memory_space<vmem>>
      %dma_wait3A_83 = tpu.memref_squeeze %dma_wait3A_82 : memref<1x128x128xf32, #tpu.memory_space<vmem>> -> memref<128x128xf32, #tpu.memory_space<vmem>>
      %dma_wait3A_84 = arith.constant 0 : i32
      %dma_wait3A_85 = tpu.memref_slice %arg7[%add3A_15, %dma_wait3A_84] : memref<10240x128xf32, #tpu.memory_space<vmem_shared>> -> memref<128x128xf32, #tpu.memory_space<vmem_shared>>
      %dma_wait3A_86 = arith.constant 0 : i32
      %dma_wait3A_87 = tpu.memref_slice %arg7[%add3A_15, %dma_wait3A_86] : memref<10240x128xf32, #tpu.memory_space<vmem_shared>> -> memref<128x128xf32, #tpu.memory_space<vmem_shared>>
      %dma_wait3A_88 = arith.constant 0 : i32
      %dma_wait3A_89 = arith.constant 0 : i32
      %dma_wait3A_90 = tpu.memref_slice %arg6[%run_scoped3A_16, %dma_wait3A_88, %dma_wait3A_89] : memref<2x128x128xf32, #tpu.memory_space<vmem>> -> memref<1x128x128xf32, #tpu.memory_space<vmem>>
      %dma_wait3A_91 = tpu.memref_squeeze %dma_wait3A_90 : memref<1x128x128xf32, #tpu.memory_space<vmem>> -> memref<128x128xf32, #tpu.memory_space<vmem>>
      tpu.wait_dma2 semaphore(%run_scoped3A_69 : memref<!tpu.dma_semaphore, #tpu.memory_space<semaphore_mem>>) src(%dma_wait3A_91 : memref<128x128xf32, #tpu.memory_space<vmem>>) dst(%dma_wait3A_87 : memref<128x128xf32, #tpu.memory_space<vmem_shared>>)
      tpu.yield
    }) : () -> ()
    %mul3A_17 = arith.constant 640 : i32
    %mul3A_18 = arith.muli %arg1, %mul3A_17 : i32
    %add3A_19 = arith.constant 256 : i32
    %add3A_20 = arith.addi %mul3A_18, %add3A_19 : i32
    %run_scoped3A_21 = arith.constant 0 : i32
    "tpu.region"() ({
      %run_scoped3A_69 = tpu.sem_alloc : memref<!tpu.dma_semaphore, #tpu.memory_space<semaphore_mem>>
      %dma_start3A = arith.constant 0 : i32
      %dma_start3A_70 = arith.constant 0 : i32
      %dma_start3A_71 = tpu.memref_slice %arg6[%run_scoped3A_21, %dma_start3A, %dma_start3A_70] : memref<2x128x128xf32, #tpu.memory_space<vmem>> -> memref<1x128x128xf32, #tpu.memory_space<vmem>>
      %dma_start3A_72 = tpu.memref_squeeze %dma_start3A_71 : memref<1x128x128xf32, #tpu.memory_space<vmem>> -> memref<128x128xf32, #tpu.memory_space<vmem>>
      %dma_start3A_73 = arith.constant 0 : i32
      %dma_start3A_74 = tpu.memref_slice %arg7[%add3A_20, %dma_start3A_73] : memref<10240x128xf32, #tpu.memory_space<vmem_shared>> -> memref<128x128xf32, #tpu.memory_space<vmem_shared>>
      %dma_start3A_75 = arith.constant 0 : i32
      %dma_start3A_76 = tpu.memref_slice %arg7[%add3A_20, %dma_start3A_75] : memref<10240x128xf32, #tpu.memory_space<vmem_shared>> -> memref<128x128xf32, #tpu.memory_space<vmem_shared>>
      %dma_start3A_77 = arith.constant 0 : i32
      %dma_start3A_78 = arith.constant 0 : i32
      %dma_start3A_79 = tpu.memref_slice %arg6[%run_scoped3A_21, %dma_start3A_77, %dma_start3A_78] : memref<2x128x128xf32, #tpu.memory_space<vmem>> -> memref<1x128x128xf32, #tpu.memory_space<vmem>>
      %dma_start3A_80 = tpu.memref_squeeze %dma_start3A_79 : memref<1x128x128xf32, #tpu.memory_space<vmem>> -> memref<128x128xf32, #tpu.memory_space<vmem>>
      tpu.enqueue_dma source(%dma_start3A_80 : memref<128x128xf32, #tpu.memory_space<vmem>>) target(%dma_start3A_76 : memref<128x128xf32, #tpu.memory_space<vmem_shared>>) target_semaphore(%run_scoped3A_69 : memref<!tpu.dma_semaphore, #tpu.memory_space<semaphore_mem>>)
      %dma_wait3A = arith.constant 0 : i32
      %dma_wait3A_81 = arith.constant 0 : i32
      %dma_wait3A_82 = tpu.memref_slice %arg6[%run_scoped3A_21, %dma_wait3A, %dma_wait3A_81] : memref<2x128x128xf32, #tpu.memory_space<vmem>> -> memref<1x128x128xf32, #tpu.memory_space<vmem>>
      %dma_wait3A_83 = tpu.memref_squeeze %dma_wait3A_82 : memref<1x128x128xf32, #tpu.memory_space<vmem>> -> memref<128x128xf32, #tpu.memory_space<vmem>>
      %dma_wait3A_84 = arith.constant 0 : i32
      %dma_wait3A_85 = tpu.memref_slice %arg7[%add3A_20, %dma_wait3A_84] : memref<10240x128xf32, #tpu.memory_space<vmem_shared>> -> memref<128x128xf32, #tpu.memory_space<vmem_shared>>
      %dma_wait3A_86 = arith.constant 0 : i32
      %dma_wait3A_87 = tpu.memref_slice %arg7[%add3A_20, %dma_wait3A_86] : memref<10240x128xf32, #tpu.memory_space<vmem_shared>> -> memref<128x128xf32, #tpu.memory_space<vmem_shared>>
      %dma_wait3A_88 = arith.constant 0 : i32
      %dma_wait3A_89 = arith.constant 0 : i32
      %dma_wait3A_90 = tpu.memref_slice %arg6[%run_scoped3A_21, %dma_wait3A_88, %dma_wait3A_89] : memref<2x128x128xf32, #tpu.memory_space<vmem>> -> memref<1x128x128xf32, #tpu.memory_space<vmem>>
      %dma_wait3A_91 = tpu.memref_squeeze %dma_wait3A_90 : memref<1x128x128xf32, #tpu.memory_space<vmem>> -> memref<128x128xf32, #tpu.memory_space<vmem>>
      tpu.wait_dma2 semaphore(%run_scoped3A_69 : memref<!tpu.dma_semaphore, #tpu.memory_space<semaphore_mem>>) src(%dma_wait3A_91 : memref<128x128xf32, #tpu.memory_space<vmem>>) dst(%dma_wait3A_87 : memref<128x128xf32, #tpu.memory_space<vmem_shared>>)
      tpu.yield
    }) : () -> ()
    %mul3A_22 = arith.constant 640 : i32
    %mul3A_23 = arith.muli %arg1, %mul3A_22 : i32
    %add3A_24 = arith.constant 384 : i32
    %add3A_25 = arith.addi %mul3A_23, %add3A_24 : i32
    %run_scoped3A_26 = arith.constant 0 : i32
    "tpu.region"() ({
      %run_scoped3A_69 = tpu.sem_alloc : memref<!tpu.dma_semaphore, #tpu.memory_space<semaphore_mem>>
      %dma_start3A = arith.constant 0 : i32
      %dma_start3A_70 = arith.constant 0 : i32
      %dma_start3A_71 = tpu.memref_slice %arg6[%run_scoped3A_26, %dma_start3A, %dma_start3A_70] : memref<2x128x128xf32, #tpu.memory_space<vmem>> -> memref<1x128x128xf32, #tpu.memory_space<vmem>>
      %dma_start3A_72 = tpu.memref_squeeze %dma_start3A_71 : memref<1x128x128xf32, #tpu.memory_space<vmem>> -> memref<128x128xf32, #tpu.memory_space<vmem>>
      %dma_start3A_73 = arith.constant 0 : i32
      %dma_start3A_74 = tpu.memref_slice %arg7[%add3A_25, %dma_start3A_73] : memref<10240x128xf32, #tpu.memory_space<vmem_shared>> -> memref<128x128xf32, #tpu.memory_space<vmem_shared>>
      %dma_start3A_75 = arith.constant 0 : i32
      %dma_start3A_76 = tpu.memref_slice %arg7[%add3A_25, %dma_start3A_75] : memref<10240x128xf32, #tpu.memory_space<vmem_shared>> -> memref<128x128xf32, #tpu.memory_space<vmem_shared>>
      %dma_start3A_77 = arith.constant 0 : i32
      %dma_start3A_78 = arith.constant 0 : i32
      %dma_start3A_79 = tpu.memref_slice %arg6[%run_scoped3A_26, %dma_start3A_77, %dma_start3A_78] : memref<2x128x128xf32, #tpu.memory_space<vmem>> -> memref<1x128x128xf32, #tpu.memory_space<vmem>>
      %dma_start3A_80 = tpu.memref_squeeze %dma_start3A_79 : memref<1x128x128xf32, #tpu.memory_space<vmem>> -> memref<128x128xf32, #tpu.memory_space<vmem>>
      tpu.enqueue_dma source(%dma_start3A_80 : memref<128x128xf32, #tpu.memory_space<vmem>>) target(%dma_start3A_76 : memref<128x128xf32, #tpu.memory_space<vmem_shared>>) target_semaphore(%run_scoped3A_69 : memref<!tpu.dma_semaphore, #tpu.memory_space<semaphore_mem>>)
      %dma_wait3A = arith.constant 0 : i32
      %dma_wait3A_81 = arith.constant 0 : i32
      %dma_wait3A_82 = tpu.memref_slice %arg6[%run_scoped3A_26, %dma_wait3A, %dma_wait3A_81] : memref<2x128x128xf32, #tpu.memory_space<vmem>> -> memref<1x128x128xf32, #tpu.memory_space<vmem>>
      %dma_wait3A_83 = tpu.memref_squeeze %dma_wait3A_82 : memref<1x128x128xf32, #tpu.memory_space<vmem>> -> memref<128x128xf32, #tpu.memory_space<vmem>>
      %dma_wait3A_84 = arith.constant 0 : i32
      %dma_wait3A_85 = tpu.memref_slice %arg7[%add3A_25, %dma_wait3A_84] : memref<10240x128xf32, #tpu.memory_space<vmem_shared>> -> memref<128x128xf32, #tpu.memory_space<vmem_shared>>
      %dma_wait3A_86 = arith.constant 0 : i32
      %dma_wait3A_87 = tpu.memref_slice %arg7[%add3A_25, %dma_wait3A_86] : memref<10240x128xf32, #tpu.memory_space<vmem_shared>> -> memref<128x128xf32, #tpu.memory_space<vmem_shared>>
      %dma_wait3A_88 = arith.constant 0 : i32
      %dma_wait3A_89 = arith.constant 0 : i32
      %dma_wait3A_90 = tpu.memref_slice %arg6[%run_scoped3A_26, %dma_wait3A_88, %dma_wait3A_89] : memref<2x128x128xf32, #tpu.memory_space<vmem>> -> memref<1x128x128xf32, #tpu.memory_space<vmem>>
      %dma_wait3A_91 = tpu.memref_squeeze %dma_wait3A_90 : memref<1x128x128xf32, #tpu.memory_space<vmem>> -> memref<128x128xf32, #tpu.memory_space<vmem>>
      tpu.wait_dma2 semaphore(%run_scoped3A_69 : memref<!tpu.dma_semaphore, #tpu.memory_space<semaphore_mem>>) src(%dma_wait3A_91 : memref<128x128xf32, #tpu.memory_space<vmem>>) dst(%dma_wait3A_87 : memref<128x128xf32, #tpu.memory_space<vmem_shared>>)
      tpu.yield
    }) : () -> ()
    %mul3A_27 = arith.constant 640 : i32
    %mul3A_28 = arith.muli %arg1, %mul3A_27 : i32
    %add3A_29 = arith.constant 512 : i32
    %add3A_30 = arith.addi %mul3A_28, %add3A_29 : i32
    %run_scoped3A_31 = arith.constant 0 : i32
    "tpu.region"() ({
      %run_scoped3A_69 = tpu.sem_alloc : memref<!tpu.dma_semaphore, #tpu.memory_space<semaphore_mem>>
      %dma_start3A = arith.constant 0 : i32
      %dma_start3A_70 = arith.constant 0 : i32
      %dma_start3A_71 = tpu.memref_slice %arg6[%run_scoped3A_31, %dma_start3A, %dma_start3A_70] : memref<2x128x128xf32, #tpu.memory_space<vmem>> -> memref<1x128x128xf32, #tpu.memory_space<vmem>>
      %dma_start3A_72 = tpu.memref_squeeze %dma_start3A_71 : memref<1x128x128xf32, #tpu.memory_space<vmem>> -> memref<128x128xf32, #tpu.memory_space<vmem>>
      %dma_start3A_73 = arith.constant 0 : i32
      %dma_start3A_74 = tpu.memref_slice %arg7[%add3A_30, %dma_start3A_73] : memref<10240x128xf32, #tpu.memory_space<vmem_shared>> -> memref<128x128xf32, #tpu.memory_space<vmem_shared>>
      %dma_start3A_75 = arith.constant 0 : i32
      %dma_start3A_76 = tpu.memref_slice %arg7[%add3A_30, %dma_start3A_75] : memref<10240x128xf32, #tpu.memory_space<vmem_shared>> -> memref<128x128xf32, #tpu.memory_space<vmem_shared>>
      %dma_start3A_77 = arith.constant 0 : i32
      %dma_start3A_78 = arith.constant 0 : i32
      %dma_start3A_79 = tpu.memref_slice %arg6[%run_scoped3A_31, %dma_start3A_77, %dma_start3A_78] : memref<2x128x128xf32, #tpu.memory_space<vmem>> -> memref<1x128x128xf32, #tpu.memory_space<vmem>>
      %dma_start3A_80 = tpu.memref_squeeze %dma_start3A_79 : memref<1x128x128xf32, #tpu.memory_space<vmem>> -> memref<128x128xf32, #tpu.memory_space<vmem>>
      tpu.enqueue_dma source(%dma_start3A_80 : memref<128x128xf32, #tpu.memory_space<vmem>>) target(%dma_start3A_76 : memref<128x128xf32, #tpu.memory_space<vmem_shared>>) target_semaphore(%run_scoped3A_69 : memref<!tpu.dma_semaphore, #tpu.memory_space<semaphore_mem>>)
      %dma_wait3A = arith.constant 0 : i32
      %dma_wait3A_81 = arith.constant 0 : i32
      %dma_wait3A_82 = tpu.memref_slice %arg6[%run_scoped3A_31, %dma_wait3A, %dma_wait3A_81] : memref<2x128x128xf32, #tpu.memory_space<vmem>> -> memref<1x128x128xf32, #tpu.memory_space<vmem>>
      %dma_wait3A_83 = tpu.memref_squeeze %dma_wait3A_82 : memref<1x128x128xf32, #tpu.memory_space<vmem>> -> memref<128x128xf32, #tpu.memory_space<vmem>>
      %dma_wait3A_84 = arith.constant 0 : i32
      %dma_wait3A_85 = tpu.memref_slice %arg7[%add3A_30, %dma_wait3A_84] : memref<10240x128xf32, #tpu.memory_space<vmem_shared>> -> memref<128x128xf32, #tpu.memory_space<vmem_shared>>
      %dma_wait3A_86 = arith.constant 0 : i32
      %dma_wait3A_87 = tpu.memref_slice %arg7[%add3A_30, %dma_wait3A_86] : memref<10240x128xf32, #tpu.memory_space<vmem_shared>> -> memref<128x128xf32, #tpu.memory_space<vmem_shared>>
      %dma_wait3A_88 = arith.constant 0 : i32
      %dma_wait3A_89 = arith.constant 0 : i32
      %dma_wait3A_90 = tpu.memref_slice %arg6[%run_scoped3A_31, %dma_wait3A_88, %dma_wait3A_89] : memref<2x128x128xf32, #tpu.memory_space<vmem>> -> memref<1x128x128xf32, #tpu.memory_space<vmem>>
      %dma_wait3A_91 = tpu.memref_squeeze %dma_wait3A_90 : memref<1x128x128xf32, #tpu.memory_space<vmem>> -> memref<128x128xf32, #tpu.memory_space<vmem>>
      tpu.wait_dma2 semaphore(%run_scoped3A_69 : memref<!tpu.dma_semaphore, #tpu.memory_space<semaphore_mem>>) src(%dma_wait3A_91 : memref<128x128xf32, #tpu.memory_space<vmem>>) dst(%dma_wait3A_87 : memref<128x128xf32, #tpu.memory_space<vmem_shared>>)
      tpu.yield
    }) : () -> ()
    %barrier3A = arith.constant 0 : index
    tpu.barrier barrier_id(%barrier3A)
    %add3A_32 = arith.constant 0 : i32
    %add3A_33 = arith.addi %add3A, %add3A_32 : i32
    %lt3A = arith.constant 2500 : i32
    %lt3A_34 = arith.cmpi slt, %add3A_33, %lt3A : i32
    %convert_element_type3A = arith.extui %lt3A_34 : i1 to i32
    %cond3A = arith.constant 0 : i32
    %cond3A_35 = arith.cmpi ne, %convert_element_type3A, %cond3A : i32
    scf.if %cond3A_35 {
      %add3A_69 = arith.constant 0 : i32
      %add3A_70 = arith.addi %add3A, %add3A_69 : i32
      %mul3A_71 = arith.constant 128 : i32
      %mul3A_72 = arith.muli %add3A_70, %mul3A_71 : i32
      %dma_start3A = arith.constant 0 : i32
      %dma_start3A_73 = arith.constant 0 : i32
      %dma_start3A_74 = arith.constant 0 : i32
      %dma_start3A_75 = arith.constant 0 : i32
      %dma_start3A_76 = tpu.memref_slice %arg5[%dma_start3A, %dma_start3A_74, %dma_start3A_75] : memref<3x2x128xi32, #tpu.memory_space<vmem>> -> memref<1x2x128xi32, #tpu.memory_space<vmem>>
      %dma_start3A_77 = tpu.memref_squeeze %dma_start3A_76 : memref<1x2x128xi32, #tpu.memory_space<vmem>> -> memref<2x128xi32, #tpu.memory_space<vmem>>
      %dma_start3A_78 = arith.constant 0 : i32
      %dma_start3A_79 = tpu.memref_slice %arg3[%dma_start3A_78, %mul3A_72] : memref<2x320000xi32, #tpu.memory_space<hbm>> -> memref<2x128xi32, #tpu.memory_space<hbm>>
      %dma_start3A_80 = tpu.memref_slice %arg8[%dma_start3A_73] : memref<3x!tpu.dma_semaphore, #tpu.memory_space<semaphore_mem>> -> memref<1x!tpu.dma_semaphore, #tpu.memory_space<semaphore_mem>>
      %dma_start3A_81 = tpu.memref_squeeze %dma_start3A_80 : memref<1x!tpu.dma_semaphore, #tpu.memory_space<semaphore_mem>> -> memref<!tpu.dma_semaphore, #tpu.memory_space<semaphore_mem>>
      %dma_start3A_82 = arith.constant 0 : i32
      %dma_start3A_83 = arith.constant 0 : i32
      %dma_start3A_84 = tpu.memref_slice %arg5[%dma_start3A, %dma_start3A_82, %dma_start3A_83] : memref<3x2x128xi32, #tpu.memory_space<vmem>> -> memref<1x2x128xi32, #tpu.memory_space<vmem>>
      %dma_start3A_85 = tpu.memref_squeeze %dma_start3A_84 : memref<1x2x128xi32, #tpu.memory_space<vmem>> -> memref<2x128xi32, #tpu.memory_space<vmem>>
      %dma_start3A_86 = arith.constant 0 : i32
      %dma_start3A_87 = tpu.memref_slice %arg3[%dma_start3A_86, %mul3A_72] : memref<2x320000xi32, #tpu.memory_space<hbm>> -> memref<2x128xi32, #tpu.memory_space<hbm>>
      tpu.enqueue_dma source(%dma_start3A_87 : memref<2x128xi32, #tpu.memory_space<hbm>>) target(%dma_start3A_85 : memref<2x128xi32, #tpu.memory_space<vmem>>) target_semaphore(%dma_start3A_81 : memref<!tpu.dma_semaphore, #tpu.memory_space<semaphore_mem>>)
    } else {
    }
    %add3A_36 = arith.constant 32 : i32
    %add3A_37 = arith.addi %add3A, %add3A_36 : i32
    %lt3A_38 = arith.constant 2500 : i32
    %lt3A_39 = arith.cmpi slt, %add3A_37, %lt3A_38 : i32
    %convert_element_type3A_40 = arith.extui %lt3A_39 : i1 to i32
    %cond3A_41 = arith.constant 0 : i32
    %cond3A_42 = arith.cmpi ne, %convert_element_type3A_40, %cond3A_41 : i32
    scf.if %cond3A_42 {
      %add3A_69 = arith.constant 32 : i32
      %add3A_70 = arith.addi %add3A, %add3A_69 : i32
      %mul3A_71 = arith.constant 128 : i32
      %mul3A_72 = arith.muli %add3A_70, %mul3A_71 : i32
      %dma_start3A = arith.constant 1 : i32
      %dma_start3A_73 = arith.constant 1 : i32
      %dma_start3A_74 = arith.constant 0 : i32
      %dma_start3A_75 = arith.constant 0 : i32
      %dma_start3A_76 = tpu.memref_slice %arg5[%dma_start3A, %dma_start3A_74, %dma_start3A_75] : memref<3x2x128xi32, #tpu.memory_space<vmem>> -> memref<1x2x128xi32, #tpu.memory_space<vmem>>
      %dma_start3A_77 = tpu.memref_squeeze %dma_start3A_76 : memref<1x2x128xi32, #tpu.memory_space<vmem>> -> memref<2x128xi32, #tpu.memory_space<vmem>>
      %dma_start3A_78 = arith.constant 0 : i32
      %dma_start3A_79 = tpu.memref_slice %arg3[%dma_start3A_78, %mul3A_72] : memref<2x320000xi32, #tpu.memory_space<hbm>> -> memref<2x128xi32, #tpu.memory_space<hbm>>
      %dma_start3A_80 = tpu.memref_slice %arg8[%dma_start3A_73] : memref<3x!tpu.dma_semaphore, #tpu.memory_space<semaphore_mem>> -> memref<1x!tpu.dma_semaphore, #tpu.memory_space<semaphore_mem>>
      %dma_start3A_81 = tpu.memref_squeeze %dma_start3A_80 : memref<1x!tpu.dma_semaphore, #tpu.memory_space<semaphore_mem>> -> memref<!tpu.dma_semaphore, #tpu.memory_space<semaphore_mem>>
      %dma_start3A_82 = arith.constant 0 : i32
      %dma_start3A_83 = arith.constant 0 : i32
      %dma_start3A_84 = tpu.memref_slice %arg5[%dma_start3A, %dma_start3A_82, %dma_start3A_83] : memref<3x2x128xi32, #tpu.memory_space<vmem>> -> memref<1x2x128xi32, #tpu.memory_space<vmem>>
      %dma_start3A_85 = tpu.memref_squeeze %dma_start3A_84 : memref<1x2x128xi32, #tpu.memory_space<vmem>> -> memref<2x128xi32, #tpu.memory_space<vmem>>
      %dma_start3A_86 = arith.constant 0 : i32
      %dma_start3A_87 = tpu.memref_slice %arg3[%dma_start3A_86, %mul3A_72] : memref<2x320000xi32, #tpu.memory_space<hbm>> -> memref<2x128xi32, #tpu.memory_space<hbm>>
      tpu.enqueue_dma source(%dma_start3A_87 : memref<2x128xi32, #tpu.memory_space<hbm>>) target(%dma_start3A_85 : memref<2x128xi32, #tpu.memory_space<vmem>>) target_semaphore(%dma_start3A_81 : memref<!tpu.dma_semaphore, #tpu.memory_space<semaphore_mem>>)
    } else {
    }
    %add3A_43 = arith.constant 0 : i32
    %add3A_44 = arith.addi %add3A, %add3A_43 : i32
    %lt3A_45 = arith.constant 2500 : i32
    %lt3A_46 = arith.cmpi slt, %add3A_44, %lt3A_45 : i32
    %convert_element_type3A_47 = arith.extui %lt3A_46 : i1 to i32
    %cond3A_48 = arith.constant 0 : i32
    %cond3A_49 = arith.cmpi ne, %convert_element_type3A_47, %cond3A_48 : i32
    scf.if %cond3A_49 {
      %add3A_69 = arith.constant 0 : i32
      %add3A_70 = arith.addi %add3A, %add3A_69 : i32
      %mul3A_71 = arith.constant 128 : i32
      %mul3A_72 = arith.muli %add3A_70, %mul3A_71 : i32
      %dma_wait3A = arith.constant 0 : i32
      %dma_wait3A_73 = arith.constant 0 : i32
      %dma_wait3A_74 = arith.constant 0 : i32
      %dma_wait3A_75 = arith.constant 0 : i32
      %dma_wait3A_76 = tpu.memref_slice %arg5[%dma_wait3A, %dma_wait3A_74, %dma_wait3A_75] : memref<3x2x128xi32, #tpu.memory_space<vmem>> -> memref<1x2x128xi32, #tpu.memory_space<vmem>>
      %dma_wait3A_77 = tpu.memref_squeeze %dma_wait3A_76 : memref<1x2x128xi32, #tpu.memory_space<vmem>> -> memref<2x128xi32, #tpu.memory_space<vmem>>
      %dma_wait3A_78 = arith.constant 0 : i32
      %dma_wait3A_79 = tpu.memref_slice %arg3[%dma_wait3A_78, %mul3A_72] : memref<2x320000xi32, #tpu.memory_space<hbm>> -> memref<2x128xi32, #tpu.memory_space<hbm>>
      %dma_wait3A_80 = tpu.memref_slice %arg8[%dma_wait3A_73] : memref<3x!tpu.dma_semaphore, #tpu.memory_space<semaphore_mem>> -> memref<1x!tpu.dma_semaphore, #tpu.memory_space<semaphore_mem>>
      %dma_wait3A_81 = tpu.memref_squeeze %dma_wait3A_80 : memref<1x!tpu.dma_semaphore, #tpu.memory_space<semaphore_mem>> -> memref<!tpu.dma_semaphore, #tpu.memory_space<semaphore_mem>>
      %dma_wait3A_82 = arith.constant 0 : i32
      %dma_wait3A_83 = arith.constant 0 : i32
      %dma_wait3A_84 = tpu.memref_slice %arg5[%dma_wait3A, %dma_wait3A_82, %dma_wait3A_83] : memref<3x2x128xi32, #tpu.memory_space<vmem>> -> memref<1x2x128xi32, #tpu.memory_space<vmem>>
      %dma_wait3A_85 = tpu.memref_squeeze %dma_wait3A_84 : memref<1x2x128xi32, #tpu.memory_space<vmem>> -> memref<2x128xi32, #tpu.memory_space<vmem>>
      %dma_wait3A_86 = arith.constant 0 : i32
      %dma_wait3A_87 = tpu.memref_slice %arg3[%dma_wait3A_86, %mul3A_72] : memref<2x320000xi32, #tpu.memory_space<hbm>> -> memref<2x128xi32, #tpu.memory_space<hbm>>
      tpu.wait_dma2 semaphore(%dma_wait3A_81 : memref<!tpu.dma_semaphore, #tpu.memory_space<semaphore_mem>>) src(%dma_wait3A_87 : memref<2x128xi32, #tpu.memory_space<hbm>>) dst(%dma_wait3A_85 : memref<2x128xi32, #tpu.memory_space<vmem>>)
      %dma_start3A = arith.constant 0 : i32
      %dma_start3A_88 = arith.constant 0 : i32
      %dma_start3A_89 = arith.constant 0 : i32
      %dma_start3A_90 = arith.constant 0 : i32
      %dma_start3A_91 = arith.constant 0 : i32
      %dma_start3A_92 = arith.constant 0 : i32
      %dma_start3A_93 = tpu.memref_slice %arg6[%dma_start3A_89, %dma_start3A_91, %dma_start3A_92] : memref<2x128x128xf32, #tpu.memory_space<vmem>> -> memref<1x128x128xf32, #tpu.memory_space<vmem>>
      %dma_start3A_94 = tpu.memref_squeeze %dma_start3A_93 : memref<1x128x128xf32, #tpu.memory_space<vmem>> -> memref<128x128xf32, #tpu.memory_space<vmem>>
      %dma_start3A_95 = arith.constant 0 : i32
      %dma_start3A_96 = tpu.memref_slice %arg5[%dma_start3A, %dma_start3A_88, %dma_start3A_95] : memref<3x2x128xi32, #tpu.memory_space<vmem>> -> memref<1x1x128xi32, #tpu.memory_space<vmem>>
      %dma_start3A_97 = tpu.memref_squeeze %dma_start3A_96 : memref<1x1x128xi32, #tpu.memory_space<vmem>> -> memref<128xi32, #tpu.memory_space<vmem>>
      %dma_start3A_98 = arith.constant 0 : i32
      %dma_start3A_99 = arith.constant 0 : i32
      %dma_start3A_100 = tpu.memref_slice %arg2[%dma_start3A_98, %dma_start3A_99] : memref<10000x128xf32, #tpu.memory_space<hbm>> -> memref<10000x128xf32, #tpu.memory_space<hbm>>
      %dma_start3A_101 = tpu.memref_slice %arg9[%dma_start3A_90] : memref<2x!tpu.dma_semaphore, #tpu.memory_space<semaphore_mem>> -> memref<1x!tpu.dma_semaphore, #tpu.memory_space<semaphore_mem>>
      %dma_start3A_102 = tpu.memref_squeeze %dma_start3A_101 : memref<1x!tpu.dma_semaphore, #tpu.memory_space<semaphore_mem>> -> memref<!tpu.dma_semaphore, #tpu.memory_space<semaphore_mem>>
      tpu.enqueue_indirect_dma source(%dma_start3A_100 : memref<10000x128xf32, #tpu.memory_space<hbm>>) target(%dma_start3A_94 : memref<128x128xf32, #tpu.memory_space<vmem>>) offsets(%dma_start3A_97 : memref<128xi32, #tpu.memory_space<vmem>>) semaphore(%dma_start3A_102 : memref<!tpu.dma_semaphore, #tpu.memory_space<semaphore_mem>>)
    } else {
    }
    %scan3A_50 = arith.constant 0 : i32
    %scan3A_51 = arith.constant 0 : i32
    %scan3A_52 = arith.constant 79 : i32
    %scan3A_53 = arith.addi %scan3A_51, %scan3A_52 : i32
    %scan3A_54 = arith.constant 1 : i32
    %scan3A_55 = scf.for %scan3A_69 = %scan3A_51 to %scan3A_53 step %scan3A_54 iter_args(%scan3A_70 = %scan3A_50) -> (i32)  : i32 {
      %rem3A = arith.constant 2 : i32
      %rem3A_71 = arith.remsi %scan3A_69, %rem3A : i32
      %add3A_72 = arith.constant 1 : i32
      %add3A_73 = arith.addi %scan3A_69, %add3A_72 : i32
      %rem3A_74 = arith.constant 2 : i32
      %rem3A_75 = arith.remsi %add3A_73, %rem3A_74 : i32
      %rem3A_76 = arith.constant 3 : i32
      %rem3A_77 = arith.remsi %scan3A_69, %rem3A_76 : i32
      %add3A_78 = arith.constant 1 : i32
      %add3A_79 = arith.addi %scan3A_69, %add3A_78 : i32
      %rem3A_80 = arith.constant 3 : i32
      %rem3A_81 = arith.remsi %add3A_79, %rem3A_80 : i32
      %add3A_82 = arith.constant 3 : i32
      %add3A_83 = arith.addi %scan3A_69, %add3A_82 : i32
      %sub3A = arith.constant 1 : i32
      %sub3A_84 = arith.subi %add3A_83, %sub3A : i32
      %rem3A_85 = arith.constant 3 : i32
      %rem3A_86 = arith.remsi %sub3A_84, %rem3A_85 : i32
      %add3A_87 = arith.constant 1 : i32
      %add3A_88 = arith.addi %scan3A_69, %add3A_87 : i32
      %mul3A_89 = arith.constant 32 : i32
      %mul3A_90 = arith.muli %add3A_88, %mul3A_89 : i32
      %add3A_91 = arith.addi %add3A, %mul3A_90 : i32
      %lt3A_92 = arith.constant 2500 : i32
      %lt3A_93 = arith.cmpi slt, %add3A_91, %lt3A_92 : i32
      %convert_element_type3A_94 = arith.extui %lt3A_93 : i1 to i32
      %cond3A_95 = arith.constant 0 : i32
      %cond3A_96 = arith.cmpi ne, %convert_element_type3A_94, %cond3A_95 : i32
      scf.if %cond3A_96 {
        %ge3A = arith.constant 1 : i32
        %ge3A_116 = arith.cmpi sge, %scan3A_69, %ge3A : i32
        %convert_element_type3A_117 = arith.extui %ge3A_116 : i1 to i32
        %cond3A_118 = arith.constant 0 : i32
        %cond3A_119 = arith.cmpi ne, %convert_element_type3A_117, %cond3A_118 : i32
        scf.if %cond3A_119 {
          %dma_wait3A_152 = arith.constant 1 : i32
          %dma_wait3A_153 = arith.constant 0 : i32
          %dma_wait3A_154 = arith.constant 0 : i32
          %dma_wait3A_155 = tpu.memref_slice %arg6[%rem3A_75, %dma_wait3A_153, %dma_wait3A_154] : memref<2x128x128xf32, #tpu.memory_space<vmem>> -> memref<1x128x128xf32, #tpu.memory_space<vmem>>
          %dma_wait3A_156 = tpu.memref_squeeze %dma_wait3A_155 : memref<1x128x128xf32, #tpu.memory_space<vmem>> -> memref<128x128xf32, #tpu.memory_space<vmem>>
          %dma_wait3A_157 = arith.constant 0 : i32
          %dma_wait3A_158 = tpu.memref_slice %arg5[%rem3A_86, %dma_wait3A_152, %dma_wait3A_157] : memref<3x2x128xi32, #tpu.memory_space<vmem>> -> memref<1x1x128xi32, #tpu.memory_space<vmem>>
          %dma_wait3A_159 = tpu.memref_squeeze %dma_wait3A_158 : memref<1x1x128xi32, #tpu.memory_space<vmem>> -> memref<128xi32, #tpu.memory_space<vmem>>
          %dma_wait3A_160 = arith.constant 0 : i32
          %dma_wait3A_161 = arith.constant 0 : i32
          %dma_wait3A_162 = tpu.memref_slice %arg7[%dma_wait3A_160, %dma_wait3A_161] : memref<10240x128xf32, #tpu.memory_space<vmem_shared>> -> memref<10240x128xf32, #tpu.memory_space<vmem_shared>>
          %dma_wait3A_163 = tpu.memref_slice %arg10[%rem3A_75] : memref<2x!tpu.dma_semaphore, #tpu.memory_space<semaphore_mem>> -> memref<1x!tpu.dma_semaphore, #tpu.memory_space<semaphore_mem>>
          %dma_wait3A_164 = tpu.memref_squeeze %dma_wait3A_163 : memref<1x!tpu.dma_semaphore, #tpu.memory_space<semaphore_mem>> -> memref<!tpu.dma_semaphore, #tpu.memory_space<semaphore_mem>>
          tpu.wait_indirect_dma semaphore(%dma_wait3A_164 : memref<!tpu.dma_semaphore, #tpu.memory_space<semaphore_mem>>) src(%dma_wait3A_156 : memref<128x128xf32, #tpu.memory_space<vmem>>) dst(%dma_wait3A_162 : memref<10240x128xf32, #tpu.memory_space<vmem_shared>>)
        } else {
        }
        %add3A_120 = arith.constant 1 : i32
        %add3A_121 = arith.addi %scan3A_69, %add3A_120 : i32
        %mul3A_122 = arith.constant 32 : i32
        %mul3A_123 = arith.muli %add3A_121, %mul3A_122 : i32
        %add3A_124 = arith.addi %add3A, %mul3A_123 : i32
        %mul3A_125 = arith.constant 128 : i32
        %mul3A_126 = arith.muli %add3A_124, %mul3A_125 : i32
        %dma_wait3A = arith.constant 0 : i32
        %dma_wait3A_127 = arith.constant 0 : i32
        %dma_wait3A_128 = tpu.memref_slice %arg5[%rem3A_81, %dma_wait3A, %dma_wait3A_127] : memref<3x2x128xi32, #tpu.memory_space<vmem>> -> memref<1x2x128xi32, #tpu.memory_space<vmem>>
        %dma_wait3A_129 = tpu.memref_squeeze %dma_wait3A_128 : memref<1x2x128xi32, #tpu.memory_space<vmem>> -> memref<2x128xi32, #tpu.memory_space<vmem>>
        %dma_wait3A_130 = arith.constant 0 : i32
        %dma_wait3A_131 = tpu.memref_slice %arg3[%dma_wait3A_130, %mul3A_126] : memref<2x320000xi32, #tpu.memory_space<hbm>> -> memref<2x128xi32, #tpu.memory_space<hbm>>
        %dma_wait3A_132 = tpu.memref_slice %arg8[%rem3A_81] : memref<3x!tpu.dma_semaphore, #tpu.memory_space<semaphore_mem>> -> memref<1x!tpu.dma_semaphore, #tpu.memory_space<semaphore_mem>>
        %dma_wait3A_133 = tpu.memref_squeeze %dma_wait3A_132 : memref<1x!tpu.dma_semaphore, #tpu.memory_space<semaphore_mem>> -> memref<!tpu.dma_semaphore, #tpu.memory_space<semaphore_mem>>
        %dma_wait3A_134 = arith.constant 0 : i32
        %dma_wait3A_135 = arith.constant 0 : i32
        %dma_wait3A_136 = tpu.memref_slice %arg5[%rem3A_81, %dma_wait3A_134, %dma_wait3A_135] : memref<3x2x128xi32, #tpu.memory_space<vmem>> -> memref<1x2x128xi32, #tpu.memory_space<vmem>>
        %dma_wait3A_137 = tpu.memref_squeeze %dma_wait3A_136 : memref<1x2x128xi32, #tpu.memory_space<vmem>> -> memref<2x128xi32, #tpu.memory_space<vmem>>
        %dma_wait3A_138 = arith.constant 0 : i32
        %dma_wait3A_139 = tpu.memref_slice %arg3[%dma_wait3A_138, %mul3A_126] : memref<2x320000xi32, #tpu.memory_space<hbm>> -> memref<2x128xi32, #tpu.memory_space<hbm>>
        tpu.wait_dma2 semaphore(%dma_wait3A_133 : memref<!tpu.dma_semaphore, #tpu.memory_space<semaphore_mem>>) src(%dma_wait3A_139 : memref<2x128xi32, #tpu.memory_space<hbm>>) dst(%dma_wait3A_137 : memref<2x128xi32, #tpu.memory_space<vmem>>)
        %dma_start3A = arith.constant 0 : i32
        %dma_start3A_140 = arith.constant 0 : i32
        %dma_start3A_141 = arith.constant 0 : i32
        %dma_start3A_142 = tpu.memref_slice %arg6[%rem3A_75, %dma_start3A_140, %dma_start3A_141] : memref<2x128x128xf32, #tpu.memory_space<vmem>> -> memref<1x128x128xf32, #tpu.memory_space<vmem>>
        %dma_start3A_143 = tpu.memref_squeeze %dma_start3A_142 : memref<1x128x128xf32, #tpu.memory_space<vmem>> -> memref<128x128xf32, #tpu.memory_space<vmem>>
        %dma_start3A_144 = arith.constant 0 : i32
        %dma_start3A_145 = tpu.memref_slice %arg5[%rem3A_81, %dma_start3A, %dma_start3A_144] : memref<3x2x128xi32, #tpu.memory_space<vmem>> -> memref<1x1x128xi32, #tpu.memory_space<vmem>>
        %dma_start3A_146 = tpu.memref_squeeze %dma_start3A_145 : memref<1x1x128xi32, #tpu.memory_space<vmem>> -> memref<128xi32, #tpu.memory_space<vmem>>
        %dma_start3A_147 = arith.constant 0 : i32
        %dma_start3A_148 = arith.constant 0 : i32
        %dma_start3A_149 = tpu.memref_slice %arg2[%dma_start3A_147, %dma_start3A_148] : memref<10000x128xf32, #tpu.memory_space<hbm>> -> memref<10000x128xf32, #tpu.memory_space<hbm>>
        %dma_start3A_150 = tpu.memref_slice %arg9[%rem3A_75] : memref<2x!tpu.dma_semaphore, #tpu.memory_space<semaphore_mem>> -> memref<1x!tpu.dma_semaphore, #tpu.memory_space<semaphore_mem>>
        %dma_start3A_151 = tpu.memref_squeeze %dma_start3A_150 : memref<1x!tpu.dma_semaphore, #tpu.memory_space<semaphore_mem>> -> memref<!tpu.dma_semaphore, #tpu.memory_space<semaphore_mem>>
        tpu.enqueue_indirect_dma source(%dma_start3A_149 : memref<10000x128xf32, #tpu.memory_space<hbm>>) target(%dma_start3A_143 : memref<128x128xf32, #tpu.memory_space<vmem>>) offsets(%dma_start3A_146 : memref<128xi32, #tpu.memory_space<vmem>>) semaphore(%dma_start3A_151 : memref<!tpu.dma_semaphore, #tpu.memory_space<semaphore_mem>>)
      } else {
      }
      %mul3A_97 = arith.constant 32 : i32
      %mul3A_98 = arith.muli %scan3A_69, %mul3A_97 : i32
      %add3A_99 = arith.addi %add3A, %mul3A_98 : i32
      %lt3A_100 = arith.constant 2500 : i32
      %lt3A_101 = arith.cmpi slt, %add3A_99, %lt3A_100 : i32
      %convert_element_type3A_102 = arith.extui %lt3A_101 : i1 to i32
      %cond3A_103 = arith.constant 0 : i32
      %cond3A_104 = arith.cmpi ne, %convert_element_type3A_102, %cond3A_103 : i32
      scf.if %cond3A_104 {
        %dma_wait3A = arith.constant 0 : i32
        %dma_wait3A_116 = arith.constant 0 : i32
        %dma_wait3A_117 = arith.constant 0 : i32
        %dma_wait3A_118 = tpu.memref_slice %arg6[%rem3A_71, %dma_wait3A_116, %dma_wait3A_117] : memref<2x128x128xf32, #tpu.memory_space<vmem>> -> memref<1x128x128xf32, #tpu.memory_space<vmem>>
        %dma_wait3A_119 = tpu.memref_squeeze %dma_wait3A_118 : memref<1x128x128xf32, #tpu.memory_space<vmem>> -> memref<128x128xf32, #tpu.memory_space<vmem>>
        %dma_wait3A_120 = arith.constant 0 : i32
        %dma_wait3A_121 = tpu.memref_slice %arg5[%rem3A_77, %dma_wait3A, %dma_wait3A_120] : memref<3x2x128xi32, #tpu.memory_space<vmem>> -> memref<1x1x128xi32, #tpu.memory_space<vmem>>
        %dma_wait3A_122 = tpu.memref_squeeze %dma_wait3A_121 : memref<1x1x128xi32, #tpu.memory_space<vmem>> -> memref<128xi32, #tpu.memory_space<vmem>>
        %dma_wait3A_123 = arith.constant 0 : i32
        %dma_wait3A_124 = arith.constant 0 : i32
        %dma_wait3A_125 = tpu.memref_slice %arg2[%dma_wait3A_123, %dma_wait3A_124] : memref<10000x128xf32, #tpu.memory_space<hbm>> -> memref<10000x128xf32, #tpu.memory_space<hbm>>
        %dma_wait3A_126 = tpu.memref_slice %arg9[%rem3A_71] : memref<2x!tpu.dma_semaphore, #tpu.memory_space<semaphore_mem>> -> memref<1x!tpu.dma_semaphore, #tpu.memory_space<semaphore_mem>>
        %dma_wait3A_127 = tpu.memref_squeeze %dma_wait3A_126 : memref<1x!tpu.dma_semaphore, #tpu.memory_space<semaphore_mem>> -> memref<!tpu.dma_semaphore, #tpu.memory_space<semaphore_mem>>
        tpu.wait_indirect_dma semaphore(%dma_wait3A_127 : memref<!tpu.dma_semaphore, #tpu.memory_space<semaphore_mem>>) src(%dma_wait3A_125 : memref<10000x128xf32, #tpu.memory_space<hbm>>) dst(%dma_wait3A_119 : memref<128x128xf32, #tpu.memory_space<vmem>>)
        %dma_start3A = arith.constant 1 : i32
        %dma_start3A_128 = arith.constant 0 : i32
        %dma_start3A_129 = arith.constant 0 : i32
        %dma_start3A_130 = tpu.memref_slice %arg6[%rem3A_71, %dma_start3A_128, %dma_start3A_129] : memref<2x128x128xf32, #tpu.memory_space<vmem>> -> memref<1x128x128xf32, #tpu.memory_space<vmem>>
        %dma_start3A_131 = tpu.memref_squeeze %dma_start3A_130 : memref<1x128x128xf32, #tpu.memory_space<vmem>> -> memref<128x128xf32, #tpu.memory_space<vmem>>
        %dma_start3A_132 = arith.constant 0 : i32
        %dma_start3A_133 = tpu.memref_slice %arg5[%rem3A_77, %dma_start3A, %dma_start3A_132] : memref<3x2x128xi32, #tpu.memory_space<vmem>> -> memref<1x1x128xi32, #tpu.memory_space<vmem>>
        %dma_start3A_134 = tpu.memref_squeeze %dma_start3A_133 : memref<1x1x128xi32, #tpu.memory_space<vmem>> -> memref<128xi32, #tpu.memory_space<vmem>>
        %dma_start3A_135 = arith.constant 0 : i32
        %dma_start3A_136 = arith.constant 0 : i32
        %dma_start3A_137 = tpu.memref_slice %arg7[%dma_start3A_135, %dma_start3A_136] : memref<10240x128xf32, #tpu.memory_space<vmem_shared>> -> memref<10240x128xf32, #tpu.memory_space<vmem_shared>>
        %dma_start3A_138 = tpu.memref_slice %arg10[%rem3A_71] : memref<2x!tpu.dma_semaphore, #tpu.memory_space<semaphore_mem>> -> memref<1x!tpu.dma_semaphore, #tpu.memory_space<semaphore_mem>>
        %dma_start3A_139 = tpu.memref_squeeze %dma_start3A_138 : memref<1x!tpu.dma_semaphore, #tpu.memory_space<semaphore_mem>> -> memref<!tpu.dma_semaphore, #tpu.memory_space<semaphore_mem>>
        tpu.enqueue_indirect_dma source(%dma_start3A_131 : memref<128x128xf32, #tpu.memory_space<vmem>>) target(%dma_start3A_137 : memref<10240x128xf32, #tpu.memory_space<vmem_shared>>) offsets(%dma_start3A_134 : memref<128xi32, #tpu.memory_space<vmem>>) semaphore(%dma_start3A_139 : memref<!tpu.dma_semaphore, #tpu.memory_space<semaphore_mem>>) {add = true}
      } else {
      }
      %add3A_105 = arith.constant 2 : i32
      %add3A_106 = arith.addi %scan3A_69, %add3A_105 : i32
      %mul3A_107 = arith.constant 32 : i32
      %mul3A_108 = arith.muli %add3A_106, %mul3A_107 : i32
      %add3A_109 = arith.addi %add3A, %mul3A_108 : i32
      %lt3A_110 = arith.constant 2500 : i32
      %lt3A_111 = arith.cmpi slt, %add3A_109, %lt3A_110 : i32
      %convert_element_type3A_112 = arith.extui %lt3A_111 : i1 to i32
      %cond3A_113 = arith.constant 0 : i32
      %cond3A_114 = arith.cmpi ne, %convert_element_type3A_112, %cond3A_113 : i32
      scf.if %cond3A_114 {
        %add3A_116 = arith.constant 2 : i32
        %add3A_117 = arith.addi %scan3A_69, %add3A_116 : i32
        %mul3A_118 = arith.constant 32 : i32
        %mul3A_119 = arith.muli %add3A_117, %mul3A_118 : i32
        %add3A_120 = arith.addi %add3A, %mul3A_119 : i32
        %mul3A_121 = arith.constant 128 : i32
        %mul3A_122 = arith.muli %add3A_120, %mul3A_121 : i32
        %dma_start3A = arith.constant 0 : i32
        %dma_start3A_123 = arith.constant 0 : i32
        %dma_start3A_124 = tpu.memref_slice %arg5[%rem3A_86, %dma_start3A, %dma_start3A_123] : memref<3x2x128xi32, #tpu.memory_space<vmem>> -> memref<1x2x128xi32, #tpu.memory_space<vmem>>
        %dma_start3A_125 = tpu.memref_squeeze %dma_start3A_124 : memref<1x2x128xi32, #tpu.memory_space<vmem>> -> memref<2x128xi32, #tpu.memory_space<vmem>>
        %dma_start3A_126 = arith.constant 0 : i32
        %dma_start3A_127 = tpu.memref_slice %arg3[%dma_start3A_126, %mul3A_122] : memref<2x320000xi32, #tpu.memory_space<hbm>> -> memref<2x128xi32, #tpu.memory_space<hbm>>
        %dma_start3A_128 = tpu.memref_slice %arg8[%rem3A_86] : memref<3x!tpu.dma_semaphore, #tpu.memory_space<semaphore_mem>> -> memref<1x!tpu.dma_semaphore, #tpu.memory_space<semaphore_mem>>
        %dma_start3A_129 = tpu.memref_squeeze %dma_start3A_128 : memref<1x!tpu.dma_semaphore, #tpu.memory_space<semaphore_mem>> -> memref<!tpu.dma_semaphore, #tpu.memory_space<semaphore_mem>>
        %dma_start3A_130 = arith.constant 0 : i32
        %dma_start3A_131 = arith.constant 0 : i32
        %dma_start3A_132 = tpu.memref_slice %arg5[%rem3A_86, %dma_start3A_130, %dma_start3A_131] : memref<3x2x128xi32, #tpu.memory_space<vmem>> -> memref<1x2x128xi32, #tpu.memory_space<vmem>>
        %dma_start3A_133 = tpu.memref_squeeze %dma_start3A_132 : memref<1x2x128xi32, #tpu.memory_space<vmem>> -> memref<2x128xi32, #tpu.memory_space<vmem>>
        %dma_start3A_134 = arith.constant 0 : i32
        %dma_start3A_135 = tpu.memref_slice %arg3[%dma_start3A_134, %mul3A_122] : memref<2x320000xi32, #tpu.memory_space<hbm>> -> memref<2x128xi32, #tpu.memory_space<hbm>>
        tpu.enqueue_dma source(%dma_start3A_135 : memref<2x128xi32, #tpu.memory_space<hbm>>) target(%dma_start3A_133 : memref<2x128xi32, #tpu.memory_space<vmem>>) target_semaphore(%dma_start3A_129 : memref<!tpu.dma_semaphore, #tpu.memory_space<semaphore_mem>>)
      } else {
      }
      %scan3A_115 = arith.constant 0 : i32
      scf.yield %scan3A_115 : i32
    }
    %scan3A_56 = arith.constant 79 : i32
    %scan3A_57 = arith.constant 0 : i32
    %scan3A_58 = arith.constant 76 : i32
    %scan3A_59 = arith.constant 3 : i32
    %scan3A_60 = arith.addi %scan3A_58, %scan3A_59 : i32
    %scan3A_61 = arith.constant 1 : i32
    %scan3A_62 = scf.for %scan3A_69 = %scan3A_58 to %scan3A_60 step %scan3A_61 iter_args(%scan3A_70 = %scan3A_57) -> (i32)  : i32 {
      %mul3A_71 = arith.constant 32 : i32
      %mul3A_72 = arith.muli %scan3A_69, %mul3A_71 : i32
      %add3A_73 = arith.addi %add3A, %mul3A_72 : i32
      %lt3A_74 = arith.constant 2500 : i32
      %lt3A_75 = arith.cmpi slt, %add3A_73, %lt3A_74 : i32
      %add3A_76 = arith.constant 2 : i32
      %add3A_77 = arith.addi %scan3A_69, %add3A_76 : i32
      %mul3A_78 = arith.constant 32 : i32
      %mul3A_79 = arith.muli %add3A_77, %mul3A_78 : i32
      %add3A_80 = arith.addi %add3A, %mul3A_79 : i32
      %ge3A = arith.constant 2500 : i32
      %ge3A_81 = arith.cmpi sge, %add3A_80, %ge3A : i32
      %and3A = arith.andi %lt3A_75, %ge3A_81 : i1
      %convert_element_type3A_82 = arith.extui %and3A : i1 to i32
      %cond3A_83 = arith.constant 0 : i32
      %cond3A_84 = arith.cmpi ne, %convert_element_type3A_82, %cond3A_83 : i32
      scf.if %cond3A_84 {
        %rem3A = arith.constant 3 : i32
        %rem3A_86 = arith.remsi %scan3A_69, %rem3A : i32
        %rem3A_87 = arith.constant 2 : i32
        %rem3A_88 = arith.remsi %scan3A_69, %rem3A_87 : i32
        %dma_wait3A = arith.constant 1 : i32
        %dma_wait3A_89 = arith.constant 0 : i32
        %dma_wait3A_90 = arith.constant 0 : i32
        %dma_wait3A_91 = tpu.memref_slice %arg6[%rem3A_88, %dma_wait3A_89, %dma_wait3A_90] : memref<2x128x128xf32, #tpu.memory_space<vmem>> -> memref<1x128x128xf32, #tpu.memory_space<vmem>>
        %dma_wait3A_92 = tpu.memref_squeeze %dma_wait3A_91 : memref<1x128x128xf32, #tpu.memory_space<vmem>> -> memref<128x128xf32, #tpu.memory_space<vmem>>
        %dma_wait3A_93 = arith.constant 0 : i32
        %dma_wait3A_94 = tpu.memref_slice %arg5[%rem3A_86, %dma_wait3A, %dma_wait3A_93] : memref<3x2x128xi32, #tpu.memory_space<vmem>> -> memref<1x1x128xi32, #tpu.memory_space<vmem>>
        %dma_wait3A_95 = tpu.memref_squeeze %dma_wait3A_94 : memref<1x1x128xi32, #tpu.memory_space<vmem>> -> memref<128xi32, #tpu.memory_space<vmem>>
        %dma_wait3A_96 = arith.constant 0 : i32
        %dma_wait3A_97 = arith.constant 0 : i32
        %dma_wait3A_98 = tpu.memref_slice %arg7[%dma_wait3A_96, %dma_wait3A_97] : memref<10240x128xf32, #tpu.memory_space<vmem_shared>> -> memref<10240x128xf32, #tpu.memory_space<vmem_shared>>
        %dma_wait3A_99 = tpu.memref_slice %arg10[%rem3A_88] : memref<2x!tpu.dma_semaphore, #tpu.memory_space<semaphore_mem>> -> memref<1x!tpu.dma_semaphore, #tpu.memory_space<semaphore_mem>>
        %dma_wait3A_100 = tpu.memref_squeeze %dma_wait3A_99 : memref<1x!tpu.dma_semaphore, #tpu.memory_space<semaphore_mem>> -> memref<!tpu.dma_semaphore, #tpu.memory_space<semaphore_mem>>
        tpu.wait_indirect_dma semaphore(%dma_wait3A_100 : memref<!tpu.dma_semaphore, #tpu.memory_space<semaphore_mem>>) src(%dma_wait3A_92 : memref<128x128xf32, #tpu.memory_space<vmem>>) dst(%dma_wait3A_98 : memref<10240x128xf32, #tpu.memory_space<vmem_shared>>)
      } else {
      }
      %scan3A_85 = arith.constant 0 : i32
      scf.yield %scan3A_85 : i32
    }
    %scan3A_63 = arith.constant 3 : i32
    %barrier3A_64 = arith.constant 0 : index
    tpu.barrier barrier_id(%barrier3A_64)
    %mul3A_65 = arith.constant 640 : i32
    %mul3A_66 = arith.muli %arg1, %mul3A_65 : i32
    %mul3A_67 = arith.constant 640 : i32
    %mul3A_68 = arith.muli %arg1, %mul3A_67 : i32
    "tpu.region"() ({
      %run_scoped3A_69 = tpu.sem_alloc : memref<!tpu.dma_semaphore, #tpu.memory_space<semaphore_mem>>
      %dma_start3A = arith.constant 0 : i32
      %dma_start3A_70 = tpu.memref_slice %arg4[%arg0, %mul3A_68, %dma_start3A] : memref<2x10240x128xf32, #tpu.memory_space<hbm>> -> memref<1x640x128xf32, #tpu.memory_space<hbm>>
      %dma_start3A_71 = tpu.memref_squeeze %dma_start3A_70 : memref<1x640x128xf32, #tpu.memory_space<hbm>> -> memref<640x128xf32, #tpu.memory_space<hbm>>
      %dma_start3A_72 = arith.constant 0 : i32
      %dma_start3A_73 = tpu.memref_slice %arg7[%mul3A_66, %dma_start3A_72] : memref<10240x128xf32, #tpu.memory_space<vmem_shared>> -> memref<640x128xf32, #tpu.memory_space<vmem_shared>>
      tpu.enqueue_dma source(%dma_start3A_73 : memref<640x128xf32, #tpu.memory_space<vmem_shared>>) target(%dma_start3A_71 : memref<640x128xf32, #tpu.memory_space<hbm>>) target_semaphore(%run_scoped3A_69 : memref<!tpu.dma_semaphore, #tpu.memory_space<semaphore_mem>>)
      %dma_wait3A = arith.constant 0 : i32
      %dma_wait3A_74 = tpu.memref_slice %arg4[%arg0, %mul3A_68, %dma_wait3A] : memref<2x10240x128xf32, #tpu.memory_space<hbm>> -> memref<1x640x128xf32, #tpu.memory_space<hbm>>
      %dma_wait3A_75 = tpu.memref_squeeze %dma_wait3A_74 : memref<1x640x128xf32, #tpu.memory_space<hbm>> -> memref<640x128xf32, #tpu.memory_space<hbm>>
      %dma_wait3A_76 = arith.constant 0 : i32
      %dma_wait3A_77 = tpu.memref_slice %arg7[%mul3A_66, %dma_wait3A_76] : memref<10240x128xf32, #tpu.memory_space<vmem_shared>> -> memref<640x128xf32, #tpu.memory_space<vmem_shared>>
      tpu.wait_dma2 semaphore(%run_scoped3A_69 : memref<!tpu.dma_semaphore, #tpu.memory_space<semaphore_mem>>) src(%dma_wait3A_77 : memref<640x128xf32, #tpu.memory_space<vmem_shared>>) dst(%dma_wait3A_75 : memref<640x128xf32, #tpu.memory_space<hbm>>)
      tpu.yield
    }) : () -> ()
    return
  }
}

#map = affine_map<(d0, d1) -> (0, 0)>
#map1 = affine_map<(d0, d1) -> (0)>
module attributes {stable_mosaic.version = 14 : i64} {
  func.func @_deg_body(%arg0: i32, %arg1: i32, %arg2: memref<2x320000xi32, #tpu.memory_space<hbm>>, %arg3: memref<640xf32, #tpu.memory_space<hbm>>, %arg4: memref<2x10240xf32, #tpu.memory_space<hbm>>, %arg5: memref<2x10240xf32, #tpu.memory_space<hbm>>, %arg6: memref<4x2x128xi32, #tpu.memory_space<vmem>>, %arg7: memref<128xf32, #tpu.memory_space<vmem>>, %arg8: memref<10240xf32, #tpu.memory_space<vmem_shared>>, %arg9: memref<10240xf32, #tpu.memory_space<vmem_shared>>, %arg10: memref<4x!tpu.dma_semaphore, #tpu.memory_space<semaphore_mem>>, %arg11: memref<4x!tpu.dma_semaphore, #tpu.memory_space<semaphore_mem>>, %arg12: memref<4x!tpu.dma_semaphore, #tpu.memory_space<semaphore_mem>>) attributes {dimension_semantics = [#tpu.dimension_semantics<core_parallel>, #tpu.dimension_semantics<subcore_parallel>], iteration_bounds = array<i64: 2, 16>, scalar_prefetch = 0 : i64, scratch_operands = 7 : i64, tpu.core_type = #tpu.core_type<sc_vector_subcore>, window_params = [{transform_indices = #map}, {transform_indices = #map1}, {transform_indices = #map}, {transform_indices = #map}]} {
    %mul3A = arith.constant 2 : i32
    %mul3A_0 = arith.muli %arg1, %mul3A : i32
    %add3A = arith.addi %mul3A_0, %arg0 : i32
    %broadcast_in_dim3A = arith.constant 1.000000e+00 : f32
    %broadcast_in_dim3A_1 = vector.broadcast %broadcast_in_dim3A : f32 to vector<16xf32>
    %scan3A = arith.constant 0 : i32
    %scan3A_2 = arith.constant 0 : i32
    %scan3A_3 = arith.constant 8 : i32
    %scan3A_4 = arith.addi %scan3A_2, %scan3A_3 : i32
    %scan3A_5 = arith.constant 1 : i32
    %scan3A_6 = scf.for %scan3A_46 = %scan3A_2 to %scan3A_4 step %scan3A_5 iter_args(%scan3A_47 = %scan3A) -> (i32)  : i32 {
      %mul3A_48 = arith.constant 16 : i32
      %mul3A_49 = arith.muli %scan3A_46, %mul3A_48 : i32
      %swap3A = arith.index_cast %mul3A_49 : i32 to index
      %swap3A_50 = tpu.vector_load %arg7[%swap3A] {strides = array<i32>} : memref<128xf32, #tpu.memory_space<vmem>>, vector<16xf32>,
      tpu.vector_store %arg7[%swap3A], %broadcast_in_dim3A_1 {strides = array<i32>} : memref<128xf32, #tpu.memory_space<vmem>>, vector<16xf32>,
      %scan3A_51 = arith.constant 0 : i32
      scf.yield %scan3A_51 : i32
    }
    %scan3A_7 = arith.constant 8 : i32
    %mul3A_8 = arith.constant 640 : i32
    %mul3A_9 = arith.muli %arg1, %mul3A_8 : i32
    "tpu.region"() ({
      %run_scoped3A = tpu.sem_alloc : memref<!tpu.dma_semaphore, #tpu.memory_space<semaphore_mem>>
      %dma_start3A = tpu.memref_slice %arg8[%mul3A_9] : memref<10240xf32, #tpu.memory_space<vmem_shared>> -> memref<640xf32, #tpu.memory_space<vmem_shared>>
      tpu.enqueue_dma source(%arg3 : memref<640xf32, #tpu.memory_space<hbm>>) target(%dma_start3A : memref<640xf32, #tpu.memory_space<vmem_shared>>) target_semaphore(%run_scoped3A : memref<!tpu.dma_semaphore, #tpu.memory_space<semaphore_mem>>)
      %dma_wait3A = tpu.memref_slice %arg8[%mul3A_9] : memref<10240xf32, #tpu.memory_space<vmem_shared>> -> memref<640xf32, #tpu.memory_space<vmem_shared>>
      tpu.wait_dma2 semaphore(%run_scoped3A : memref<!tpu.dma_semaphore, #tpu.memory_space<semaphore_mem>>) src(%arg3 : memref<640xf32, #tpu.memory_space<hbm>>) dst(%dma_wait3A : memref<640xf32, #tpu.memory_space<vmem_shared>>)
      tpu.yield
    }) : () -> ()
    %mul3A_10 = arith.constant 640 : i32
    %mul3A_11 = arith.muli %arg1, %mul3A_10 : i32
    "tpu.region"() ({
      %run_scoped3A = tpu.sem_alloc : memref<!tpu.dma_semaphore, #tpu.memory_space<semaphore_mem>>
      %dma_start3A = tpu.memref_slice %arg9[%mul3A_11] : memref<10240xf32, #tpu.memory_space<vmem_shared>> -> memref<640xf32, #tpu.memory_space<vmem_shared>>
      tpu.enqueue_dma source(%arg3 : memref<640xf32, #tpu.memory_space<hbm>>) target(%dma_start3A : memref<640xf32, #tpu.memory_space<vmem_shared>>) target_semaphore(%run_scoped3A : memref<!tpu.dma_semaphore, #tpu.memory_space<semaphore_mem>>)
      %dma_wait3A = tpu.memref_slice %arg9[%mul3A_11] : memref<10240xf32, #tpu.memory_space<vmem_shared>> -> memref<640xf32, #tpu.memory_space<vmem_shared>>
      tpu.wait_dma2 semaphore(%run_scoped3A : memref<!tpu.dma_semaphore, #tpu.memory_space<semaphore_mem>>) src(%arg3 : memref<640xf32, #tpu.memory_space<hbm>>) dst(%dma_wait3A : memref<640xf32, #tpu.memory_space<vmem_shared>>)
      tpu.yield
    }) : () -> ()
    %barrier3A = arith.constant 0 : index
    tpu.barrier barrier_id(%barrier3A)
    %add3A_12 = arith.constant 0 : i32
    %add3A_13 = arith.addi %add3A, %add3A_12 : i32
    %lt3A = arith.constant 2500 : i32
    %lt3A_14 = arith.cmpi slt, %add3A_13, %lt3A : i32
    %convert_element_type3A = arith.extui %lt3A_14 : i1 to i32
    %cond3A = arith.constant 0 : i32
    %cond3A_15 = arith.cmpi ne, %convert_element_type3A, %cond3A : i32
    scf.if %cond3A_15 {
      %add3A_46 = arith.constant 0 : i32
      %add3A_47 = arith.addi %add3A, %add3A_46 : i32
      %mul3A_48 = arith.constant 128 : i32
      %mul3A_49 = arith.muli %add3A_47, %mul3A_48 : i32
      %dma_start3A = arith.constant 0 : i32
      %dma_start3A_50 = arith.constant 0 : i32
      %dma_start3A_51 = arith.constant 0 : i32
      %dma_start3A_52 = arith.constant 0 : i32
      %dma_start3A_53 = tpu.memref_slice %arg6[%dma_start3A, %dma_start3A_51, %dma_start3A_52] : memref<4x2x128xi32, #tpu.memory_space<vmem>> -> memref<1x2x128xi32, #tpu.memory_space<vmem>>
      %dma_start3A_54 = tpu.memref_squeeze %dma_start3A_53 : memref<1x2x128xi32, #tpu.memory_space<vmem>> -> memref<2x128xi32, #tpu.memory_space<vmem>>
      %dma_start3A_55 = arith.constant 0 : i32
      %dma_start3A_56 = tpu.memref_slice %arg2[%dma_start3A_55, %mul3A_49] : memref<2x320000xi32, #tpu.memory_space<hbm>> -> memref<2x128xi32, #tpu.memory_space<hbm>>
      %dma_start3A_57 = tpu.memref_slice %arg10[%dma_start3A_50] : memref<4x!tpu.dma_semaphore, #tpu.memory_space<semaphore_mem>> -> memref<1x!tpu.dma_semaphore, #tpu.memory_space<semaphore_mem>>
      %dma_start3A_58 = tpu.memref_squeeze %dma_start3A_57 : memref<1x!tpu.dma_semaphore, #tpu.memory_space<semaphore_mem>> -> memref<!tpu.dma_semaphore, #tpu.memory_space<semaphore_mem>>
      %dma_start3A_59 = arith.constant 0 : i32
      %dma_start3A_60 = arith.constant 0 : i32
      %dma_start3A_61 = tpu.memref_slice %arg6[%dma_start3A, %dma_start3A_59, %dma_start3A_60] : memref<4x2x128xi32, #tpu.memory_space<vmem>> -> memref<1x2x128xi32, #tpu.memory_space<vmem>>
      %dma_start3A_62 = tpu.memref_squeeze %dma_start3A_61 : memref<1x2x128xi32, #tpu.memory_space<vmem>> -> memref<2x128xi32, #tpu.memory_space<vmem>>
      %dma_start3A_63 = arith.constant 0 : i32
      %dma_start3A_64 = tpu.memref_slice %arg2[%dma_start3A_63, %mul3A_49] : memref<2x320000xi32, #tpu.memory_space<hbm>> -> memref<2x128xi32, #tpu.memory_space<hbm>>
      tpu.enqueue_dma source(%dma_start3A_64 : memref<2x128xi32, #tpu.memory_space<hbm>>) target(%dma_start3A_62 : memref<2x128xi32, #tpu.memory_space<vmem>>) target_semaphore(%dma_start3A_58 : memref<!tpu.dma_semaphore, #tpu.memory_space<semaphore_mem>>)
    } else {
    }
    %add3A_16 = arith.constant 32 : i32
    %add3A_17 = arith.addi %add3A, %add3A_16 : i32
    %lt3A_18 = arith.constant 2500 : i32
    %lt3A_19 = arith.cmpi slt, %add3A_17, %lt3A_18 : i32
    %convert_element_type3A_20 = arith.extui %lt3A_19 : i1 to i32
    %cond3A_21 = arith.constant 0 : i32
    %cond3A_22 = arith.cmpi ne, %convert_element_type3A_20, %cond3A_21 : i32
    scf.if %cond3A_22 {
      %add3A_46 = arith.constant 32 : i32
      %add3A_47 = arith.addi %add3A, %add3A_46 : i32
      %mul3A_48 = arith.constant 128 : i32
      %mul3A_49 = arith.muli %add3A_47, %mul3A_48 : i32
      %dma_start3A = arith.constant 1 : i32
      %dma_start3A_50 = arith.constant 1 : i32
      %dma_start3A_51 = arith.constant 0 : i32
      %dma_start3A_52 = arith.constant 0 : i32
      %dma_start3A_53 = tpu.memref_slice %arg6[%dma_start3A, %dma_start3A_51, %dma_start3A_52] : memref<4x2x128xi32, #tpu.memory_space<vmem>> -> memref<1x2x128xi32, #tpu.memory_space<vmem>>
      %dma_start3A_54 = tpu.memref_squeeze %dma_start3A_53 : memref<1x2x128xi32, #tpu.memory_space<vmem>> -> memref<2x128xi32, #tpu.memory_space<vmem>>
      %dma_start3A_55 = arith.constant 0 : i32
      %dma_start3A_56 = tpu.memref_slice %arg2[%dma_start3A_55, %mul3A_49] : memref<2x320000xi32, #tpu.memory_space<hbm>> -> memref<2x128xi32, #tpu.memory_space<hbm>>
      %dma_start3A_57 = tpu.memref_slice %arg10[%dma_start3A_50] : memref<4x!tpu.dma_semaphore, #tpu.memory_space<semaphore_mem>> -> memref<1x!tpu.dma_semaphore, #tpu.memory_space<semaphore_mem>>
      %dma_start3A_58 = tpu.memref_squeeze %dma_start3A_57 : memref<1x!tpu.dma_semaphore, #tpu.memory_space<semaphore_mem>> -> memref<!tpu.dma_semaphore, #tpu.memory_space<semaphore_mem>>
      %dma_start3A_59 = arith.constant 0 : i32
      %dma_start3A_60 = arith.constant 0 : i32
      %dma_start3A_61 = tpu.memref_slice %arg6[%dma_start3A, %dma_start3A_59, %dma_start3A_60] : memref<4x2x128xi32, #tpu.memory_space<vmem>> -> memref<1x2x128xi32, #tpu.memory_space<vmem>>
      %dma_start3A_62 = tpu.memref_squeeze %dma_start3A_61 : memref<1x2x128xi32, #tpu.memory_space<vmem>> -> memref<2x128xi32, #tpu.memory_space<vmem>>
      %dma_start3A_63 = arith.constant 0 : i32
      %dma_start3A_64 = tpu.memref_slice %arg2[%dma_start3A_63, %mul3A_49] : memref<2x320000xi32, #tpu.memory_space<hbm>> -> memref<2x128xi32, #tpu.memory_space<hbm>>
      tpu.enqueue_dma source(%dma_start3A_64 : memref<2x128xi32, #tpu.memory_space<hbm>>) target(%dma_start3A_62 : memref<2x128xi32, #tpu.memory_space<vmem>>) target_semaphore(%dma_start3A_58 : memref<!tpu.dma_semaphore, #tpu.memory_space<semaphore_mem>>)
    } else {
    }
    %scan3A_23 = arith.constant 0 : i32
    %scan3A_24 = arith.constant 0 : i32
    %scan3A_25 = arith.constant 79 : i32
    %scan3A_26 = arith.addi %scan3A_24, %scan3A_25 : i32
    %scan3A_27 = arith.constant 1 : i32
    %scan3A_28 = scf.for %scan3A_46 = %scan3A_24 to %scan3A_26 step %scan3A_27 iter_args(%scan3A_47 = %scan3A_23) -> (i32)  : i32 {
      %rem3A = arith.constant 4 : i32
      %rem3A_48 = arith.remsi %scan3A_46, %rem3A : i32
      %add3A_49 = arith.constant 2 : i32
      %add3A_50 = arith.addi %scan3A_46, %add3A_49 : i32
      %rem3A_51 = arith.constant 4 : i32
      %rem3A_52 = arith.remsi %add3A_50, %rem3A_51 : i32
      %add3A_53 = arith.constant 2 : i32
      %add3A_54 = arith.addi %scan3A_46, %add3A_53 : i32
      %mul3A_55 = arith.constant 32 : i32
      %mul3A_56 = arith.muli %add3A_54, %mul3A_55 : i32
      %add3A_57 = arith.addi %add3A, %mul3A_56 : i32
      %lt3A_58 = arith.constant 2500 : i32
      %lt3A_59 = arith.cmpi slt, %add3A_57, %lt3A_58 : i32
      %convert_element_type3A_60 = arith.extui %lt3A_59 : i1 to i32
      %cond3A_61 = arith.constant 0 : i32
      %cond3A_62 = arith.cmpi ne, %convert_element_type3A_60, %cond3A_61 : i32
      scf.if %cond3A_62 {
        %ge3A = arith.constant 2 : i32
        %ge3A_72 = arith.cmpi sge, %scan3A_46, %ge3A : i32
        %convert_element_type3A_73 = arith.extui %ge3A_72 : i1 to i32
        %cond3A_74 = arith.constant 0 : i32
        %cond3A_75 = arith.cmpi ne, %convert_element_type3A_73, %cond3A_74 : i32
        scf.if %cond3A_75 {
          %dma_wait3A = arith.constant 0 : i32
          %dma_wait3A_96 = arith.constant 0 : i32
          %dma_wait3A_97 = tpu.memref_slice %arg6[%rem3A_52, %dma_wait3A, %dma_wait3A_96] : memref<4x2x128xi32, #tpu.memory_space<vmem>> -> memref<1x1x128xi32, #tpu.memory_space<vmem>>
          %dma_wait3A_98 = tpu.memref_squeeze %dma_wait3A_97 : memref<1x1x128xi32, #tpu.memory_space<vmem>> -> memref<128xi32, #tpu.memory_space<vmem>>
          %dma_wait3A_99 = arith.constant 0 : i32
          %dma_wait3A_100 = tpu.memref_slice %arg8[%dma_wait3A_99] : memref<10240xf32, #tpu.memory_space<vmem_shared>> -> memref<10240xf32, #tpu.memory_space<vmem_shared>>
          %dma_wait3A_101 = tpu.memref_slice %arg11[%rem3A_52] : memref<4x!tpu.dma_semaphore, #tpu.memory_space<semaphore_mem>> -> memref<1x!tpu.dma_semaphore, #tpu.memory_space<semaphore_mem>>
          %dma_wait3A_102 = tpu.memref_squeeze %dma_wait3A_101 : memref<1x!tpu.dma_semaphore, #tpu.memory_space<semaphore_mem>> -> memref<!tpu.dma_semaphore, #tpu.memory_space<semaphore_mem>>
          tpu.wait_indirect_dma semaphore(%dma_wait3A_102 : memref<!tpu.dma_semaphore, #tpu.memory_space<semaphore_mem>>) src(%arg7 : memref<128xf32, #tpu.memory_space<vmem>>) dst(%dma_wait3A_100 : memref<10240xf32, #tpu.memory_space<vmem_shared>>)
          %dma_wait3A_103 = arith.constant 1 : i32
          %dma_wait3A_104 = arith.constant 0 : i32
          %dma_wait3A_105 = tpu.memref_slice %arg6[%rem3A_52, %dma_wait3A_103, %dma_wait3A_104] : memref<4x2x128xi32, #tpu.memory_space<vmem>> -> memref<1x1x128xi32, #tpu.memory_space<vmem>>
          %dma_wait3A_106 = tpu.memref_squeeze %dma_wait3A_105 : memref<1x1x128xi32, #tpu.memory_space<vmem>> -> memref<128xi32, #tpu.memory_space<vmem>>
          %dma_wait3A_107 = arith.constant 0 : i32
          %dma_wait3A_108 = tpu.memref_slice %arg9[%dma_wait3A_107] : memref<10240xf32, #tpu.memory_space<vmem_shared>> -> memref<10240xf32, #tpu.memory_space<vmem_shared>>
          %dma_wait3A_109 = tpu.memref_slice %arg12[%rem3A_52] : memref<4x!tpu.dma_semaphore, #tpu.memory_space<semaphore_mem>> -> memref<1x!tpu.dma_semaphore, #tpu.memory_space<semaphore_mem>>
          %dma_wait3A_110 = tpu.memref_squeeze %dma_wait3A_109 : memref<1x!tpu.dma_semaphore, #tpu.memory_space<semaphore_mem>> -> memref<!tpu.dma_semaphore, #tpu.memory_space<semaphore_mem>>
          tpu.wait_indirect_dma semaphore(%dma_wait3A_110 : memref<!tpu.dma_semaphore, #tpu.memory_space<semaphore_mem>>) src(%arg7 : memref<128xf32, #tpu.memory_space<vmem>>) dst(%dma_wait3A_108 : memref<10240xf32, #tpu.memory_space<vmem_shared>>)
        } else {
        }
        %add3A_76 = arith.constant 2 : i32
        %add3A_77 = arith.addi %scan3A_46, %add3A_76 : i32
        %mul3A_78 = arith.constant 32 : i32
        %mul3A_79 = arith.muli %add3A_77, %mul3A_78 : i32
        %add3A_80 = arith.addi %add3A, %mul3A_79 : i32
        %mul3A_81 = arith.constant 128 : i32
        %mul3A_82 = arith.muli %add3A_80, %mul3A_81 : i32
        %dma_start3A = arith.constant 0 : i32
        %dma_start3A_83 = arith.constant 0 : i32
        %dma_start3A_84 = tpu.memref_slice %arg6[%rem3A_52, %dma_start3A, %dma_start3A_83] : memref<4x2x128xi32, #tpu.memory_space<vmem>> -> memref<1x2x128xi32, #tpu.memory_space<vmem>>
        %dma_start3A_85 = tpu.memref_squeeze %dma_start3A_84 : memref<1x2x128xi32, #tpu.memory_space<vmem>> -> memref<2x128xi32, #tpu.memory_space<vmem>>
        %dma_start3A_86 = arith.constant 0 : i32
        %dma_start3A_87 = tpu.memref_slice %arg2[%dma_start3A_86, %mul3A_82] : memref<2x320000xi32, #tpu.memory_space<hbm>> -> memref<2x128xi32, #tpu.memory_space<hbm>>
        %dma_start3A_88 = tpu.memref_slice %arg10[%rem3A_52] : memref<4x!tpu.dma_semaphore, #tpu.memory_space<semaphore_mem>> -> memref<1x!tpu.dma_semaphore, #tpu.memory_space<semaphore_mem>>
        %dma_start3A_89 = tpu.memref_squeeze %dma_start3A_88 : memref<1x!tpu.dma_semaphore, #tpu.memory_space<semaphore_mem>> -> memref<!tpu.dma_semaphore, #tpu.memory_space<semaphore_mem>>
        %dma_start3A_90 = arith.constant 0 : i32
        %dma_start3A_91 = arith.constant 0 : i32
        %dma_start3A_92 = tpu.memref_slice %arg6[%rem3A_52, %dma_start3A_90, %dma_start3A_91] : memref<4x2x128xi32, #tpu.memory_space<vmem>> -> memref<1x2x128xi32, #tpu.memory_space<vmem>>
        %dma_start3A_93 = tpu.memref_squeeze %dma_start3A_92 : memref<1x2x128xi32, #tpu.memory_space<vmem>> -> memref<2x128xi32, #tpu.memory_space<vmem>>
        %dma_start3A_94 = arith.constant 0 : i32
        %dma_start3A_95 = tpu.memref_slice %arg2[%dma_start3A_94, %mul3A_82] : memref<2x320000xi32, #tpu.memory_space<hbm>> -> memref<2x128xi32, #tpu.memory_space<hbm>>
        tpu.enqueue_dma source(%dma_start3A_95 : memref<2x128xi32, #tpu.memory_space<hbm>>) target(%dma_start3A_93 : memref<2x128xi32, #tpu.memory_space<vmem>>) target_semaphore(%dma_start3A_89 : memref<!tpu.dma_semaphore, #tpu.memory_space<semaphore_mem>>)
      } else {
      }
      %mul3A_63 = arith.constant 32 : i32
      %mul3A_64 = arith.muli %scan3A_46, %mul3A_63 : i32
      %add3A_65 = arith.addi %add3A, %mul3A_64 : i32
      %lt3A_66 = arith.constant 2500 : i32
      %lt3A_67 = arith.cmpi slt, %add3A_65, %lt3A_66 : i32
      %convert_element_type3A_68 = arith.extui %lt3A_67 : i1 to i32
      %cond3A_69 = arith.constant 0 : i32
      %cond3A_70 = arith.cmpi ne, %convert_element_type3A_68, %cond3A_69 : i32
      scf.if %cond3A_70 {
        %mul3A_72 = arith.constant 32 : i32
        %mul3A_73 = arith.muli %scan3A_46, %mul3A_72 : i32
        %add3A_74 = arith.addi %add3A, %mul3A_73 : i32
        %mul3A_75 = arith.constant 128 : i32
        %mul3A_76 = arith.muli %add3A_74, %mul3A_75 : i32
        %dma_wait3A = arith.constant 0 : i32
        %dma_wait3A_77 = arith.constant 0 : i32
        %dma_wait3A_78 = tpu.memref_slice %arg6[%rem3A_48, %dma_wait3A, %dma_wait3A_77] : memref<4x2x128xi32, #tpu.memory_space<vmem>> -> memref<1x2x128xi32, #tpu.memory_space<vmem>>
        %dma_wait3A_79 = tpu.memref_squeeze %dma_wait3A_78 : memref<1x2x128xi32, #tpu.memory_space<vmem>> -> memref<2x128xi32, #tpu.memory_space<vmem>>
        %dma_wait3A_80 = arith.constant 0 : i32
        %dma_wait3A_81 = tpu.memref_slice %arg2[%dma_wait3A_80, %mul3A_76] : memref<2x320000xi32, #tpu.memory_space<hbm>> -> memref<2x128xi32, #tpu.memory_space<hbm>>
        %dma_wait3A_82 = tpu.memref_slice %arg10[%rem3A_48] : memref<4x!tpu.dma_semaphore, #tpu.memory_space<semaphore_mem>> -> memref<1x!tpu.dma_semaphore, #tpu.memory_space<semaphore_mem>>
        %dma_wait3A_83 = tpu.memref_squeeze %dma_wait3A_82 : memref<1x!tpu.dma_semaphore, #tpu.memory_space<semaphore_mem>> -> memref<!tpu.dma_semaphore, #tpu.memory_space<semaphore_mem>>
        %dma_wait3A_84 = arith.constant 0 : i32
        %dma_wait3A_85 = arith.constant 0 : i32
        %dma_wait3A_86 = tpu.memref_slice %arg6[%rem3A_48, %dma_wait3A_84, %dma_wait3A_85] : memref<4x2x128xi32, #tpu.memory_space<vmem>> -> memref<1x2x128xi32, #tpu.memory_space<vmem>>
        %dma_wait3A_87 = tpu.memref_squeeze %dma_wait3A_86 : memref<1x2x128xi32, #tpu.memory_space<vmem>> -> memref<2x128xi32, #tpu.memory_space<vmem>>
        %dma_wait3A_88 = arith.constant 0 : i32
        %dma_wait3A_89 = tpu.memref_slice %arg2[%dma_wait3A_88, %mul3A_76] : memref<2x320000xi32, #tpu.memory_space<hbm>> -> memref<2x128xi32, #tpu.memory_space<hbm>>
        tpu.wait_dma2 semaphore(%dma_wait3A_83 : memref<!tpu.dma_semaphore, #tpu.memory_space<semaphore_mem>>) src(%dma_wait3A_89 : memref<2x128xi32, #tpu.memory_space<hbm>>) dst(%dma_wait3A_87 : memref<2x128xi32, #tpu.memory_space<vmem>>)
        %dma_start3A = arith.constant 0 : i32
        %dma_start3A_90 = arith.constant 0 : i32
        %dma_start3A_91 = tpu.memref_slice %arg6[%rem3A_48, %dma_start3A, %dma_start3A_90] : memref<4x2x128xi32, #tpu.memory_space<vmem>> -> memref<1x1x128xi32, #tpu.memory_space<vmem>>
        %dma_start3A_92 = tpu.memref_squeeze %dma_start3A_91 : memref<1x1x128xi32, #tpu.memory_space<vmem>> -> memref<128xi32, #tpu.memory_space<vmem>>
        %dma_start3A_93 = arith.constant 0 : i32
        %dma_start3A_94 = tpu.memref_slice %arg8[%dma_start3A_93] : memref<10240xf32, #tpu.memory_space<vmem_shared>> -> memref<10240xf32, #tpu.memory_space<vmem_shared>>
        %dma_start3A_95 = tpu.memref_slice %arg11[%rem3A_48] : memref<4x!tpu.dma_semaphore, #tpu.memory_space<semaphore_mem>> -> memref<1x!tpu.dma_semaphore, #tpu.memory_space<semaphore_mem>>
        %dma_start3A_96 = tpu.memref_squeeze %dma_start3A_95 : memref<1x!tpu.dma_semaphore, #tpu.memory_space<semaphore_mem>> -> memref<!tpu.dma_semaphore, #tpu.memory_space<semaphore_mem>>
        tpu.enqueue_indirect_dma source(%arg7 : memref<128xf32, #tpu.memory_space<vmem>>) target(%dma_start3A_94 : memref<10240xf32, #tpu.memory_space<vmem_shared>>) offsets(%dma_start3A_92 : memref<128xi32, #tpu.memory_space<vmem>>) semaphore(%dma_start3A_96 : memref<!tpu.dma_semaphore, #tpu.memory_space<semaphore_mem>>) {add = true}
        %dma_start3A_97 = arith.constant 1 : i32
        %dma_start3A_98 = arith.constant 0 : i32
        %dma_start3A_99 = tpu.memref_slice %arg6[%rem3A_48, %dma_start3A_97, %dma_start3A_98] : memref<4x2x128xi32, #tpu.memory_space<vmem>> -> memref<1x1x128xi32, #tpu.memory_space<vmem>>
        %dma_start3A_100 = tpu.memref_squeeze %dma_start3A_99 : memref<1x1x128xi32, #tpu.memory_space<vmem>> -> memref<128xi32, #tpu.memory_space<vmem>>
        %dma_start3A_101 = arith.constant 0 : i32
        %dma_start3A_102 = tpu.memref_slice %arg9[%dma_start3A_101] : memref<10240xf32, #tpu.memory_space<vmem_shared>> -> memref<10240xf32, #tpu.memory_space<vmem_shared>>
        %dma_start3A_103 = tpu.memref_slice %arg12[%rem3A_48] : memref<4x!tpu.dma_semaphore, #tpu.memory_space<semaphore_mem>> -> memref<1x!tpu.dma_semaphore, #tpu.memory_space<semaphore_mem>>
        %dma_start3A_104 = tpu.memref_squeeze %dma_start3A_103 : memref<1x!tpu.dma_semaphore, #tpu.memory_space<semaphore_mem>> -> memref<!tpu.dma_semaphore, #tpu.memory_space<semaphore_mem>>
        tpu.enqueue_indirect_dma source(%arg7 : memref<128xf32, #tpu.memory_space<vmem>>) target(%dma_start3A_102 : memref<10240xf32, #tpu.memory_space<vmem_shared>>) offsets(%dma_start3A_100 : memref<128xi32, #tpu.memory_space<vmem>>) semaphore(%dma_start3A_104 : memref<!tpu.dma_semaphore, #tpu.memory_space<semaphore_mem>>) {add = true}
      } else {
      }
      %scan3A_71 = arith.constant 0 : i32
      scf.yield %scan3A_71 : i32
    }
    %scan3A_29 = arith.constant 79 : i32
    %scan3A_30 = arith.constant 0 : i32
    %scan3A_31 = arith.constant 74 : i32
    %scan3A_32 = arith.constant 5 : i32
    %scan3A_33 = arith.addi %scan3A_31, %scan3A_32 : i32
    %scan3A_34 = arith.constant 1 : i32
    %scan3A_35 = scf.for %scan3A_46 = %scan3A_31 to %scan3A_33 step %scan3A_34 iter_args(%scan3A_47 = %scan3A_30) -> (i32)  : i32 {
      %mul3A_48 = arith.constant 32 : i32
      %mul3A_49 = arith.muli %scan3A_46, %mul3A_48 : i32
      %add3A_50 = arith.addi %add3A, %mul3A_49 : i32
      %lt3A_51 = arith.constant 2500 : i32
      %lt3A_52 = arith.cmpi slt, %add3A_50, %lt3A_51 : i32
      %add3A_53 = arith.constant 4 : i32
      %add3A_54 = arith.addi %scan3A_46, %add3A_53 : i32
      %mul3A_55 = arith.constant 32 : i32
      %mul3A_56 = arith.muli %add3A_54, %mul3A_55 : i32
      %add3A_57 = arith.addi %add3A, %mul3A_56 : i32
      %ge3A = arith.constant 2500 : i32
      %ge3A_58 = arith.cmpi sge, %add3A_57, %ge3A : i32
      %and3A = arith.andi %lt3A_52, %ge3A_58 : i1
      %convert_element_type3A_59 = arith.extui %and3A : i1 to i32
      %cond3A_60 = arith.constant 0 : i32
      %cond3A_61 = arith.cmpi ne, %convert_element_type3A_59, %cond3A_60 : i32
      scf.if %cond3A_61 {
        %rem3A = arith.constant 4 : i32
        %rem3A_63 = arith.remsi %scan3A_46, %rem3A : i32
        %dma_wait3A = arith.constant 0 : i32
        %dma_wait3A_64 = arith.constant 0 : i32
        %dma_wait3A_65 = tpu.memref_slice %arg6[%rem3A_63, %dma_wait3A, %dma_wait3A_64] : memref<4x2x128xi32, #tpu.memory_space<vmem>> -> memref<1x1x128xi32, #tpu.memory_space<vmem>>
        %dma_wait3A_66 = tpu.memref_squeeze %dma_wait3A_65 : memref<1x1x128xi32, #tpu.memory_space<vmem>> -> memref<128xi32, #tpu.memory_space<vmem>>
        %dma_wait3A_67 = arith.constant 0 : i32
        %dma_wait3A_68 = tpu.memref_slice %arg8[%dma_wait3A_67] : memref<10240xf32, #tpu.memory_space<vmem_shared>> -> memref<10240xf32, #tpu.memory_space<vmem_shared>>
        %dma_wait3A_69 = tpu.memref_slice %arg11[%rem3A_63] : memref<4x!tpu.dma_semaphore, #tpu.memory_space<semaphore_mem>> -> memref<1x!tpu.dma_semaphore, #tpu.memory_space<semaphore_mem>>
        %dma_wait3A_70 = tpu.memref_squeeze %dma_wait3A_69 : memref<1x!tpu.dma_semaphore, #tpu.memory_space<semaphore_mem>> -> memref<!tpu.dma_semaphore, #tpu.memory_space<semaphore_mem>>
        tpu.wait_indirect_dma semaphore(%dma_wait3A_70 : memref<!tpu.dma_semaphore, #tpu.memory_space<semaphore_mem>>) src(%arg7 : memref<128xf32, #tpu.memory_space<vmem>>) dst(%dma_wait3A_68 : memref<10240xf32, #tpu.memory_space<vmem_shared>>)
        %dma_wait3A_71 = arith.constant 1 : i32
        %dma_wait3A_72 = arith.constant 0 : i32
        %dma_wait3A_73 = tpu.memref_slice %arg6[%rem3A_63, %dma_wait3A_71, %dma_wait3A_72] : memref<4x2x128xi32, #tpu.memory_space<vmem>> -> memref<1x1x128xi32, #tpu.memory_space<vmem>>
        %dma_wait3A_74 = tpu.memref_squeeze %dma_wait3A_73 : memref<1x1x128xi32, #tpu.memory_space<vmem>> -> memref<128xi32, #tpu.memory_space<vmem>>
        %dma_wait3A_75 = arith.constant 0 : i32
        %dma_wait3A_76 = tpu.memref_slice %arg9[%dma_wait3A_75] : memref<10240xf32, #tpu.memory_space<vmem_shared>> -> memref<10240xf32, #tpu.memory_space<vmem_shared>>
        %dma_wait3A_77 = tpu.memref_slice %arg12[%rem3A_63] : memref<4x!tpu.dma_semaphore, #tpu.memory_space<semaphore_mem>> -> memref<1x!tpu.dma_semaphore, #tpu.memory_space<semaphore_mem>>
        %dma_wait3A_78 = tpu.memref_squeeze %dma_wait3A_77 : memref<1x!tpu.dma_semaphore, #tpu.memory_space<semaphore_mem>> -> memref<!tpu.dma_semaphore, #tpu.memory_space<semaphore_mem>>
        tpu.wait_indirect_dma semaphore(%dma_wait3A_78 : memref<!tpu.dma_semaphore, #tpu.memory_space<semaphore_mem>>) src(%arg7 : memref<128xf32, #tpu.memory_space<vmem>>) dst(%dma_wait3A_76 : memref<10240xf32, #tpu.memory_space<vmem_shared>>)
      } else {
      }
      %scan3A_62 = arith.constant 0 : i32
      scf.yield %scan3A_62 : i32
    }
    %scan3A_36 = arith.constant 5 : i32
    %barrier3A_37 = arith.constant 0 : index
    tpu.barrier barrier_id(%barrier3A_37)
    %mul3A_38 = arith.constant 640 : i32
    %mul3A_39 = arith.muli %arg1, %mul3A_38 : i32
    %mul3A_40 = arith.constant 640 : i32
    %mul3A_41 = arith.muli %arg1, %mul3A_40 : i32
    "tpu.region"() ({
      %run_scoped3A = tpu.sem_alloc : memref<!tpu.dma_semaphore, #tpu.memory_space<semaphore_mem>>
      %dma_start3A = tpu.memref_slice %arg4[%arg0, %mul3A_41] : memref<2x10240xf32, #tpu.memory_space<hbm>> -> memref<1x640xf32, #tpu.memory_space<hbm>>
      %dma_start3A_46 = tpu.memref_squeeze %dma_start3A : memref<1x640xf32, #tpu.memory_space<hbm>> -> memref<640xf32, #tpu.memory_space<hbm>>
      %dma_start3A_47 = tpu.memref_slice %arg8[%mul3A_39] : memref<10240xf32, #tpu.memory_space<vmem_shared>> -> memref<640xf32, #tpu.memory_space<vmem_shared>>
      tpu.enqueue_dma source(%dma_start3A_47 : memref<640xf32, #tpu.memory_space<vmem_shared>>) target(%dma_start3A_46 : memref<640xf32, #tpu.memory_space<hbm>>) target_semaphore(%run_scoped3A : memref<!tpu.dma_semaphore, #tpu.memory_space<semaphore_mem>>)
      %dma_wait3A = tpu.memref_slice %arg4[%arg0, %mul3A_41] : memref<2x10240xf32, #tpu.memory_space<hbm>> -> memref<1x640xf32, #tpu.memory_space<hbm>>
      %dma_wait3A_48 = tpu.memref_squeeze %dma_wait3A : memref<1x640xf32, #tpu.memory_space<hbm>> -> memref<640xf32, #tpu.memory_space<hbm>>
      %dma_wait3A_49 = tpu.memref_slice %arg8[%mul3A_39] : memref<10240xf32, #tpu.memory_space<vmem_shared>> -> memref<640xf32, #tpu.memory_space<vmem_shared>>
      tpu.wait_dma2 semaphore(%run_scoped3A : memref<!tpu.dma_semaphore, #tpu.memory_space<semaphore_mem>>) src(%dma_wait3A_49 : memref<640xf32, #tpu.memory_space<vmem_shared>>) dst(%dma_wait3A_48 : memref<640xf32, #tpu.memory_space<hbm>>)
      tpu.yield
    }) : () -> ()
    %mul3A_42 = arith.constant 640 : i32
    %mul3A_43 = arith.muli %arg1, %mul3A_42 : i32
    %mul3A_44 = arith.constant 640 : i32
    %mul3A_45 = arith.muli %arg1, %mul3A_44 : i32
    "tpu.region"() ({
      %run_scoped3A = tpu.sem_alloc : memref<!tpu.dma_semaphore, #tpu.memory_space<semaphore_mem>>
      %dma_start3A = tpu.memref_slice %arg5[%arg0, %mul3A_45] : memref<2x10240xf32, #tpu.memory_space<hbm>> -> memref<1x640xf32, #tpu.memory_space<hbm>>
      %dma_start3A_46 = tpu.memref_squeeze %dma_start3A : memref<1x640xf32, #tpu.memory_space<hbm>> -> memref<640xf32, #tpu.memory_space<hbm>>
      %dma_start3A_47 = tpu.memref_slice %arg9[%mul3A_43] : memref<10240xf32, #tpu.memory_space<vmem_shared>> -> memref<640xf32, #tpu.memory_space<vmem_shared>>
      tpu.enqueue_dma source(%dma_start3A_47 : memref<640xf32, #tpu.memory_space<vmem_shared>>) target(%dma_start3A_46 : memref<640xf32, #tpu.memory_space<hbm>>) target_semaphore(%run_scoped3A : memref<!tpu.dma_semaphore, #tpu.memory_space<semaphore_mem>>)
      %dma_wait3A = tpu.memref_slice %arg5[%arg0, %mul3A_45] : memref<2x10240xf32, #tpu.memory_space<hbm>> -> memref<1x640xf32, #tpu.memory_space<hbm>>
      %dma_wait3A_48 = tpu.memref_squeeze %dma_wait3A : memref<1x640xf32, #tpu.memory_space<hbm>> -> memref<640xf32, #tpu.memory_space<hbm>>
      %dma_wait3A_49 = tpu.memref_slice %arg9[%mul3A_43] : memref<10240xf32, #tpu.memory_space<vmem_shared>> -> memref<640xf32, #tpu.memory_space<vmem_shared>>
      tpu.wait_dma2 semaphore(%run_scoped3A : memref<!tpu.dma_semaphore, #tpu.memory_space<semaphore_mem>>) src(%dma_wait3A_49 : memref<640xf32, #tpu.memory_space<vmem_shared>>) dst(%dma_wait3A_48 : memref<640xf32, #tpu.memory_space<hbm>>)
      tpu.yield
    }) : () -> ()
    return
  }
}

module attributes {stable_mosaic.version = 14 : i64} {
  func.func @_fin_body(%arg0: i32, %arg1: memref<1x2048x128xf32, #tpu.memory_space<vmem>>, %arg2: memref<1x2048x128xf32, #tpu.memory_space<vmem>>, %arg3: memref<2x2048xf32, #tpu.memory_space<vmem>>, %arg4: memref<1x128xf32, #tpu.memory_space<vmem>>, %arg5: memref<2048x128xf32, #tpu.memory_space<vmem>>) attributes {dimension_semantics = [#tpu.dimension_semantics<arbitrary>], iteration_bounds = array<i64: 5>, scalar_prefetch = 0 : i64, scratch_operands = 0 : i64, tpu.core_type = #tpu.core_type<tc>, window_params = [{transform_indices = @transform_0, window_bounds = array<i64: 1, 2048, 128>}, {transform_indices = @transform_1, window_bounds = array<i64: 1, 2048, 128>}, {transform_indices = @transform_2, window_bounds = array<i64: 2, 2048>}, {pipeline_mode = #tpu.pipeline_mode<synchronous>, transform_indices = @transform_3, window_bounds = array<i64: 1, 128>}, {transform_indices = @transform_4, window_bounds = array<i64: 2048, 128>}]} {
    %get3A = arith.constant 0 : index
    %get3A_0 = arith.constant 0 : index
    %get3A_1 = vector.load %arg3[%get3A, %get3A_0] : memref<2x2048xf32, #tpu.memory_space<vmem>>, vector<2x2048xf32>
    %reduce_sum3A = arith.constant dense<0.000000e+00> : vector<2048xf32>
    %reduce_sum3A_2 = vector.multi_reduction <add>, %get3A_1, %reduce_sum3A [0] : vector<2x2048xf32> to vector<2048xf32>
    %broadcast_in_dim3A = vector.shape_cast %reduce_sum3A_2 : vector<2048xf32> to vector<1x2048xf32>
    %transpose3A = tpu.transpose %broadcast_in_dim3A, [1, 0] : vector<1x2048xf32> -> vector<2048x1xf32>
    %max3A = arith.constant 1.000000e+00 : f32
    %max3A_3 = vector.broadcast %max3A : f32 to vector<2048x1xf32>
    %max3A_4 = arith.maximumf %transpose3A, %max3A_3 : vector<2048x1xf32>
    %sqrt3A = math.sqrt %max3A_4 : vector<2048x1xf32>
    %div3A = arith.constant 1.000000e+00 : f32
    %div3A_5 = vector.broadcast %div3A : f32 to vector<2048x1xf32>
    %div3A_6 = arith.divf %div3A_5, %sqrt3A : vector<2048x1xf32>
    %get3A_7 = arith.constant 0 : index
    %get3A_8 = arith.constant 0 : index
    %get3A_9 = arith.constant 0 : index
    %get3A_10 = vector.load %arg1[%get3A_7, %get3A_8, %get3A_9] : memref<1x2048x128xf32, #tpu.memory_space<vmem>>, vector<1x2048x128xf32>
    %get3A_11 = vector.shape_cast %get3A_10 : vector<1x2048x128xf32> to vector<2048x128xf32>
    %get3A_12 = arith.constant 0 : index
    %get3A_13 = arith.constant 0 : index
    %get3A_14 = arith.constant 0 : index
    %get3A_15 = vector.load %arg2[%get3A_12, %get3A_13, %get3A_14] : memref<1x2048x128xf32, #tpu.memory_space<vmem>>, vector<1x2048x128xf32>
    %get3A_16 = vector.shape_cast %get3A_15 : vector<1x2048x128xf32> to vector<2048x128xf32>
    %add3A = arith.addf %get3A_11, %get3A_16 : vector<2048x128xf32>
    %mul3A = vector.broadcast %div3A_6 : vector<2048x1xf32> to vector<2048x128xf32>
    %mul3A_17 = arith.mulf %add3A, %mul3A : vector<2048x128xf32>
    %get3A_18 = arith.constant 0 : index
    %get3A_19 = arith.constant 0 : index
    %get3A_20 = vector.load %arg4[%get3A_18, %get3A_19] : memref<1x128xf32, #tpu.memory_space<vmem>>, vector<1x128xf32>
    %add3A_21 = vector.broadcast %get3A_20 : vector<1x128xf32> to vector<2048x128xf32>
    %add3A_22 = arith.addf %mul3A_17, %add3A_21 : vector<2048x128xf32>
    %swap3A = arith.constant 0 : index
    %swap3A_23 = arith.constant 0 : index
    %swap3A_24 = vector.load %arg5[%swap3A, %swap3A_23] : memref<2048x128xf32, #tpu.memory_space<vmem>>, vector<2048x128xf32>
    tpu.vector_store %arg5[%swap3A, %swap3A_23], %add3A_22 {strides = array<i32>} : memref<2048x128xf32, #tpu.memory_space<vmem>>, vector<2048x128xf32>,
    return
  }
  func.func @transform_0(%arg0: i32) -> (i32, i32, i32) {
    %c0_i32 = arith.constant 0 : i32
    %c0_i32_0 = arith.constant 0 : i32
    %c0_i32_1 = arith.constant 0 : i32
    return %c0_i32, %arg0, %c0_i32_0 : i32, i32, i32
  }
  func.func @transform_1(%arg0: i32) -> (i32, i32, i32) {
    %c1_i32 = arith.constant 1 : i32
    %c0_i32 = arith.constant 0 : i32
    %c0_i32_0 = arith.constant 0 : i32
    return %c1_i32, %arg0, %c0_i32 : i32, i32, i32
  }
  func.func @transform_2(%arg0: i32) -> (i32, i32) {
    %c0_i32 = arith.constant 0 : i32
    %c0_i32_0 = arith.constant 0 : i32
    return %c0_i32, %arg0 : i32, i32
  }
  func.func @transform_3(%arg0: i32) -> (i32, i32) {
    %c0_i32 = arith.constant 0 : i32
    %c0_i32_0 = arith.constant 0 : i32
    %c0_i32_1 = arith.constant 0 : i32
    return %c0_i32, %c0_i32_0 : i32, i32
  }
  func.func @transform_4(%arg0: i32) -> (i32, i32) {
    %c0_i32 = arith.constant 0 : i32
    %c0_i32_0 = arith.constant 0 : i32
    return %arg0, %c0_i32 : i32, i32
  }
}

module attributes {stable_mosaic.version = 14 : i64} {
  func.func @_mm_body(%arg0: i32, %arg1: memref<2048x128xf32, #tpu.memory_space<vmem>>, %arg2: memref<2x2048xf32, #tpu.memory_space<vmem>>, %arg3: memref<128x128xf32, #tpu.memory_space<vmem>>, %arg4: memref<2048x128xf32, #tpu.memory_space<vmem>>) attributes {dimension_semantics = [#tpu.dimension_semantics<arbitrary>], iteration_bounds = array<i64: 5>, scalar_prefetch = 0 : i64, scratch_operands = 0 : i64, tpu.core_type = #tpu.core_type<tc>, window_params = [{transform_indices = @transform_0, window_bounds = array<i64: 2048, 128>}, {transform_indices = @transform_1, window_bounds = array<i64: 2, 2048>}, {pipeline_mode = #tpu.pipeline_mode<synchronous>, transform_indices = @transform_2, window_bounds = array<i64: 128, 128>}, {transform_indices = @transform_3, window_bounds = array<i64: 2048, 128>}]} {
    %get3A = arith.constant 0 : index
    %get3A_0 = arith.constant 0 : index
    %get3A_1 = vector.load %arg2[%get3A, %get3A_0] : memref<2x2048xf32, #tpu.memory_space<vmem>>, vector<2x2048xf32>
    %reduce_sum3A = arith.constant dense<0.000000e+00> : vector<2048xf32>
    %reduce_sum3A_2 = vector.multi_reduction <add>, %get3A_1, %reduce_sum3A [0] : vector<2x2048xf32> to vector<2048xf32>
    %broadcast_in_dim3A = vector.shape_cast %reduce_sum3A_2 : vector<2048xf32> to vector<1x2048xf32>
    %transpose3A = tpu.transpose %broadcast_in_dim3A, [1, 0] : vector<1x2048xf32> -> vector<2048x1xf32>
    %max3A = arith.constant 1.000000e+00 : f32
    %max3A_3 = vector.broadcast %max3A : f32 to vector<2048x1xf32>
    %max3A_4 = arith.maximumf %transpose3A, %max3A_3 : vector<2048x1xf32>
    %sqrt3A = math.sqrt %max3A_4 : vector<2048x1xf32>
    %div3A = arith.constant 1.000000e+00 : f32
    %div3A_5 = vector.broadcast %div3A : f32 to vector<2048x1xf32>
    %div3A_6 = arith.divf %div3A_5, %sqrt3A : vector<2048x1xf32>
    %get3A_7 = arith.constant 0 : index
    %get3A_8 = arith.constant 0 : index
    %get3A_9 = vector.load %arg1[%get3A_7, %get3A_8] : memref<2048x128xf32, #tpu.memory_space<vmem>>, vector<2048x128xf32>
    %mul3A = vector.broadcast %div3A_6 : vector<2048x1xf32> to vector<2048x128xf32>
    %mul3A_10 = arith.mulf %get3A_9, %mul3A : vector<2048x128xf32>
    %get3A_11 = arith.constant 0 : index
    %get3A_12 = arith.constant 0 : index
    %get3A_13 = vector.load %arg3[%get3A_11, %get3A_12] : memref<128x128xf32, #tpu.memory_space<vmem>>, vector<128x128xf32>
    %dot_general3A = arith.constant dense<0.000000e+00> : vector<2048x128xf32>
    %dot_general3A_14 = tpu.matmul %mul3A_10, %get3A_13, %dot_general3A {dimension_numbers = #tpu.dot_dimension_numbers<[1], [0], [0], [1], [0, 0, 1, 1], [], []>, transpose_lhs_hint = false} : vector<2048x128xf32>, vector<128x128xf32>, vector<2048x128xf32> -> vector<2048x128xf32>
    %swap3A = arith.constant 0 : index
    %swap3A_15 = arith.constant 0 : index
    %swap3A_16 = vector.load %arg4[%swap3A, %swap3A_15] : memref<2048x128xf32, #tpu.memory_space<vmem>>, vector<2048x128xf32>
    tpu.vector_store %arg4[%swap3A, %swap3A_15], %dot_general3A_14 {strides = array<i32>} : memref<2048x128xf32, #tpu.memory_space<vmem>>, vector<2048x128xf32>,
    return
  }
  func.func @transform_0(%arg0: i32) -> (i32, i32) {
    %c0_i32 = arith.constant 0 : i32
    %c0_i32_0 = arith.constant 0 : i32
    return %arg0, %c0_i32 : i32, i32
  }
  func.func @transform_1(%arg0: i32) -> (i32, i32) {
    %c0_i32 = arith.constant 0 : i32
    %c0_i32_0 = arith.constant 0 : i32
    return %c0_i32, %arg0 : i32, i32
  }
  func.func @transform_2(%arg0: i32) -> (i32, i32) {
    %c0_i32 = arith.constant 0 : i32
    %c0_i32_0 = arith.constant 0 : i32
    %c0_i32_1 = arith.constant 0 : i32
    return %c0_i32, %c0_i32_0 : i32, i32
  }
  func.func @transform_3(%arg0: i32) -> (i32, i32) {
    %c0_i32 = arith.constant 0 : i32
    %c0_i32_0 = arith.constant 0 : i32
    return %arg0, %c0_i32 : i32, i32
  }
}

</mosaic_0001>

<sc_bundles>
// kernel: kernel.6.cloned.1.call-start
scs
__scs_entry_jumppad:
0x0: {  	(pc) =	sbr.rel $0x88, $3  }
0x1: {  	(tag) =	ssettag $0x0;
	lr =	simm.s32 $0x1  }
0x2: {  	[smem:$0x3F9D] =	sst lr;
	_ =	strace $0xD0000000  }
0x3: {  	_ = 	snop  }
0x4: {  	_ = 	snop  }
0x5: {  	_ = 	snop  }
0x6: {  	_ = 	snop  }
0x7: {  	_ = 	snop  }
__scs_overlays_trampoline_lowered:
0x8: {  	[smem:$0x3FAC] =	sst s0  }
0x9: {  	[smem:$0x3FAD] =	sst s1  }
0xa: {  	[smem:$0x3FAE] =	sst s2  }
0xb: {  	[smem:$0x3FAF] =	sst s3  }
0xc: {  	[smem:$0x3FB0] =	sst s4  }
0xd: {  	[smem:$0x3FB1] =	sst s5  }
0xe: {  	[smem:$0x3FB2] =	sst s6  }
0xf: {  	[smem:$0x3FB3] =	sst s7  }
0x10: {  	[smem:$0x3FB4] =	sst s8  }
0x11: {  	[smem:$0x3FB5] =	sst s9;
	s0 =	simm.s32 @!p0 $0x0  }
0x12: {  	s1 =	sld [smem:$0x3F9B];
	s0 =	simm.s32 @p0 $0x1  }
0x13: {  	[smem:$0x3FB6] =	sst s0;
	s0 =	simm.s32 @!p1 $0x0  }
0x14: {  	s2 =	sld [smem:$0x3F9A];
	s0 =	simm.s32 @p1 $0x1  }
0x15: {  	[smem:$0x3FB7] =	sst s0;
	s0 =	simm.s32 @!p2 $0x0  }
0x16: {  	s3 =	sld [smem:$0x3FDB];
	s0 =	simm.s32 @p2 $0x1  }
0x17: {  	s4 =	simm.s32 $0x1BF5;
	[smem:$0x3FB9] =	sst s0  }
0x18: {  	s0 =	sld [smem:$0x3F9C];
	_ =	swait.ge [sflag:s4], $0x0  }
0x19: {  	s7 =	sld [smem:$0x3F9D]  }
0x1a: {  	s8 =	sadd.s32 $0xFFFFE003, lr  }
0x1b: {  	s9 =	sadd.s32 $0xFFFFFEF7, lr;
	s5 =	simm.s32 $0xFFFFFFFF;
	p2 =	slt.u32 s8, $0xFFFFF086  }
0x1c: {  	p1 =	slt.u32 s9, $0xF7A;
	s5 =	simm.s32 @!p2 $0x0  }
0x1d: {  	s5 =	simm.s32 @p1 $0x1;
	p0 =	seq.s32 s7, s2  }
0x1e: {  	s7 =	smul.u32 @!p0 $0xF7A, s2;
	p2 =	seq.s32 @!p0 s5, $0x0  }
0x1f: {  	s9 =	smul.u32 $0xF7A, s1;
	s8 =	simm.s32 @!p0 $0x1BF5;
	p2 =	por !p2, p0  }
0x20: {  	[sflag:s8] =	ssyncset.s32 @!p0 $0xFFFFF086;
	s6 =	sadd.s32 @!p0 s3, s7;
	s7 =	simm.s32 @!p0 $0x108  }
0x21: {  	s3 =	sadd.s32 s3, s9;
	s6 =	sadd.s32 @!p0 $0x88, s6;
	s7 =	simm.s32 @p2 $0x1082  }
0x22: {  	[simem:s7], [sflag:s8] =	dma.local @!p0 [hbm:s6], $0xF7A  }
0x23: {  	s9 =	sor.u32 $0xD0000000, s2;
	s6 =	simm.s32 $0x108;
	_ =	swait.ge @!p0 [sflag:s8], $0x0  }
0x24: {  	s3 =	sadd.s32 $0x88, s3;
	s6 =	simm.s32 @!p1 $0x1082;
	[sflag:s4] =	ssyncset.s32 $0xFFFFF086  }
0x25: {  	[simem:s6], [sflag:s4] =	dma.local [hbm:s3], $0xF7A  }
0x26: {  	[smem:$0x3F9D] =	sst s1;
	(tag) =	ssettag s2;
	_ =	strace s9  }
0x27: {  	s1 =	sld [smem:$0x3FAD]  }
0x28: {  	s2 =	sld [smem:$0x3FAE]  }
0x29: {  	s4 =	sld [smem:$0x3FB0]  }
0x2a: {  	p0 =	seq.s32 s5, $0x0;
	s5 =	sld [smem:$0x3FB1]  }
0x2b: {  	s6 =	sld [smem:$0x3FB2]  }
0x2c: {  	s7 =	sld [smem:$0x3FB3]  }
0x2d: {  	s3 =	simm.s32 $0x108;
	s8 =	sld [smem:$0x3FB4]  }
0x2e: {  	s3 =	simm.s32 @!p0 $0x1082;
	s9 =	sld [smem:$0x3FB5]  }
0x2f: {  	lr =	sadd.s32 s0, s3;
	s0 =	sld [smem:$0x3FAC]  }
0x30: {  	s3 =	sld [smem:$0x3FAF]  }
0x31: {  	[smem:$0x3FB8] =	sst s10  }
0x32: {  	s10 =	sld [smem:$0x3FB6];
	_ =	sdelay $0x3  }
0x33: {  	p0 =	seq.s32 s10, $0x1;
	s10 =	sld [smem:$0x3FB8];
	_ =	sdelay $0x3  }
0x34: {  	[smem:$0x3FB8] =	sst s10  }
0x35: {  	s10 =	sld [smem:$0x3FB7];
	_ =	sdelay $0x3  }
0x36: {  	p1 =	seq.s32 s10, $0x1;
	s10 =	sld [smem:$0x3FB8];
	_ =	sdelay $0x3  }
0x37: {  	[smem:$0x3FB8] =	sst s10  }
0x38: {  	s10 =	sld [smem:$0x3FB9]  }
0x39: {  	_ = 	snop;
	(pc) =	sbr.ind lr, $3  }
0x3a: {  	_ = 	snop  }
0x3b: {  	_ = 	snop  }
0x3c: {  	p2 =	seq.s32 s10, $0x1;
	s10 =	sld [smem:$0x3FB8]  }
0x3d: {  	_ =	shalt  }
0x3e: {  	_ =	shalt  }
0x3f: {  	_ =	shalt  }
0x40: {  	_ =	shalt  }
0x41: {  	_ =	shalt  }
0x42: {  	_ =	shalt  }
0x43: {  	_ =	shalt  }
0x44: {  	_ =	shalt  }
0x45: {  	_ =	shalt  }
0x46: {  	_ =	shalt  }
0x47: {  	_ =	shalt  }
0x48: {  	_ =	shalt  }
0x49: {  	_ =	shalt  }
0x4a: {  	_ =	shalt  }
0x4b: {  	_ =	shalt  }
0x4c: {  	_ =	shalt  }
0x4d: {  	_ =	shalt  }
0x4e: {  	_ =	shalt  }
0x4f: {  	_ =	shalt  }
0x50: {  	_ =	shalt  }
0x51: {  	_ =	shalt  }
0x52: {  	_ =	shalt  }
0x53: {  	_ =	shalt  }
0x54: {  	_ =	shalt  }
0x55: {  	_ =	shalt  }
0x56: {  	_ =	shalt  }
0x57: {  	_ =	shalt  }
0x58: {  	_ =	shalt  }
0x59: {  	_ =	shalt  }
0x5a: {  	_ =	shalt  }
0x5b: {  	_ =	shalt  }
0x5c: {  	_ =	shalt  }
0x5d: {  	_ =	shalt  }
0x5e: {  	_ =	shalt  }
0x5f: {  	_ =	shalt  }
0x60: {  	_ =	shalt  }
0x61: {  	_ =	shalt  }
0x62: {  	_ =	shalt  }
0x63: {  	_ =	shalt  }
0x64: {  	_ =	shalt  }
0x65: {  	_ =	shalt  }
0x66: {  	_ =	shalt  }
0x67: {  	_ =	shalt  }
0x68: {  	_ =	shalt  }
0x69: {  	_ =	shalt  }
0x6a: {  	_ =	shalt  }
0x6b: {  	_ =	shalt  }
0x6c: {  	_ =	shalt  }
0x6d: {  	_ =	shalt  }
0x6e: {  	_ =	shalt  }
0x6f: {  	_ =	shalt  }
0x70: {  	_ =	shalt  }
0x71: {  	_ =	shalt  }
0x72: {  	_ =	shalt  }
0x73: {  	_ =	shalt  }
0x74: {  	_ =	shalt  }
0x75: {  	_ =	shalt  }
0x76: {  	_ =	shalt  }
0x77: {  	_ =	shalt  }
0x78: {  	_ =	shalt  }
0x79: {  	_ =	shalt  }
0x7a: {  	_ =	shalt  }
0x7b: {  	_ =	shalt  }
0x7c: {  	_ =	shalt  }
0x7d: {  	_ =	shalt  }
0x7e: {  	_ =	shalt  }
0x7f: {  	_ =	shalt  }
0x80: {  	_ =	shalt  }
0x81: {  	_ =	shalt  }
0x82: {  	_ =	shalt  }
0x83: {  	_ =	shalt  }
0x84: {  	_ =	shalt  }
0x85: {  	_ =	shalt  }
0x86: {  	_ =	shalt  }
0x87: {  	_ =	shalt  }
.Lfunc_end0:
.L_simem_size_0:
called_computation_lowered:
.L_overlay_start_0:
0x88: {  	s2 =	sld [smem:$0x3FD9]  }
0x89: {  	s3 =	sld [smem:$0x3FFE];
	_ =	sdelay $0x1  }
0x8a: {  	s1 =	srdreg.scid  }
0x8b: {  	s0 =	sand.u32 $0x1, s1  }
0x8c: {  	s17 =	sshll.u32 s0, $0xA;
	s2 =	sadd.s32 s3, s2  }
0x8d: {  	s2 =	sadd.s32 s2, s17  }
0x8e: {  	[smem:$0x3FC4] =	sst s2  }
0x8f: {  	_ = 	snop  }
0x90: {  	s2 =	sld [smem:$0x3FC8]  }
0x91: {  	s18 =	sld [smem:$0x3FD0];
	(tm) =	ssettm $0x1  }
0x92: {  	s4 =	sld [smem:$0x3FFB];
	_ =	sdelay $0x3  }
0x93: {  	_ =	strace s4  }
0x94: {  	s4 =	sld [smem:$0x3FFC];
	_ =	sdelay $0x3  }
0x95: {  	_ =	strace s4  }
0x96: {  	s4 =	sld [smem:$0x3FFD];
	_ =	sdelay $0x3  }
0x97: {  	_ =	strace s4  }
0x98: {  	_ =	strace $0x8FFFFFFF  }
0x99: {  	s19 =	sld [smem:$0x3FDB];
	_ =	sdelay $0x1  }
0x9a: {  	s5 =	simm.s32 $_scs_section_size  }
0x9b: {  	s6 =	simm.s32 $_size__tile_overlayer_lowered;
	s7 =	simm.s32 $_tile_overlayer_lowered  }
0x9c: {  	s22 =	simm.s32 $0x1BFF;
	s21 =	sshll.u32 s7, $0x1;
	s4 =	sadd.s32 s5, s19  }
0x9d: {  	s8 =	simm.s32 $0x0;
	s20 =	sshll.u32 s6, $0x1;
	s6 =	sadd.s32 s21, s4  }
0x9e: {  	[timem:s8], [sflag:s22] =	dma.local [hbm:s6], s20  }
0x9f: {  	_ =	swait.ge [sflag:s22], s20  }
0xa0: {  	s5 =	ssub.s32 $0x0, s20;
	[sflag:s22] =	ssyncset.done $0x0  }
0xa1: {  	[sflag:s22] =	ssyncadd.s32 s5;
	_ =	sdelay $0x1  }
0xa2: {  	s23 =	simm.s32 $0x1B8B  }
0xa3: {  	_ =	swait.ge [sflag:s23], $0x1  }
0xa4: {  	[sflag:s23] =	ssyncset.done $0x0  }
0xa5: {  	s25 =	simm.s32 $0x1B8E;
	s24 =	sld [smem:$0x3FFE];
	[sflag:s23] =	ssyncadd.s32 $0xFFFFFFFF  }
0xa6: {  	s26 =	simm.s32 $execute0_lowered;
	[smem:$0x3FD2] =	sst s25  }
0xa7: {  	s6 =	sshll.u32 s26, $0x1;
	_ =	strace $0x80000046;
	[dreg:$0x1] =	wrdreg $0xFFFFFFFF  }
0xa8: {  	s28 =	simm.s32 $_size_execute0_lowered;
	s4 =	sadd.s32 s4, s6;
	[dreg:$0x0] =	wrdreg $0x0  }
0xa9: {  	s6 =	sshll.u32 s28, $0x1;
	[dreg:$0x2] =	wrdreg s4  }
0xaa: {  	[dreg:$0x3] =	wrdreg s6  }
0xab: {  	[dreg:$0x4] =	wrdreg $0xC0  }
0xac: {  	_ =	task [dreg:s8], $0x5FFFF  }
0xad: {  	[dreg:$0x1] =	wrdreg $0xFFFFFFFF  }
0xae: {  	[dreg:$0x0] =	wrdreg $0x60  }
0xaf: {  	[dreg:$0x2] =	wrdreg s2  }
0xb0: {  	[dreg:$0x3] =	wrdreg s24  }
0xb1: {  	[dreg:$0x4] =	wrdreg s18  }
0xb2: {  	[dreg:$0x5] =	wrdreg $0x4800  }
0xb3: {  	[dreg:$0x6] =	wrdreg $0x7000  }
0xb4: {  	[dreg:$0x7] =	wrdreg $0x9  }
0xb5: {  	_ =	task.clear_ibuf [dreg:s8], $0x8FFFF;
	_ =	strace $0x90000046  }
0xb6: {  	s29 =	simm.s32 $0x9;
	_ =	strace $0x80000048  }
0xb7: {  	_ =	swait.ge [sflag:s29], $0x1  }
0xb8: {  	[sflag:s29] =	ssyncadd.s32 $0xFFFFFFFF  }
0xb9: {  	_ =	strace $0x90000048  }
0xba: {  	_ =	sfence  }
0xbb: {  	s30 =	sld [smem:$0x0];
	_ =	sdelay $0x2  }
0xbc: {  	s31 =	sshll.u32 s1, $0xD;
	s1 =	sshrl.u32 s1, $0x2  }
0xbd: {  	s3 =	sand.u32 $0x4000, s31;
	s1 =	sadd.s32 s1, s30  }
0xbe: {  	s0 =	sor.u32 s3, s0;
	s1 =	sshll.u32 s1, $0x11  }
0xbf: {  	s0 =	sor.u32 s1, s0  }
0xc0: {  	s0 =	sadd.s32 $0x8F2B, s0  }
0xc1: {  	[sflag:s0] =	ssyncadd.remote.s32 $0x1  }
0xc2: {  	_ =	sfence.sel $0xFFFF  }
0xc3: {  	[dreg:$0x0] =	wrdreg $0xFFFFFFFF;
	(pc) =	sbr.abs _section_cstart, $3  }
0xc4: {  	[dreg:$0x1] =	wrdreg $0xFFFFFFFF  }
0xc5: {  	_ =	task.clear_ibuf [dreg:s8], $0x2FFFF;
	_ =	strace $0x9FFFFFFF  }
0xc6: {  	(tm) =	ssettm $0x7FFFFFFF  }
0xc7: {  	_ =	shalt  }
tec
execute0_lowered:
.L_overlay_start_1:
0x0: {  	(tag) =	ssettag $0x1  }
0x1: {  	s0 =	rddreg [dreg:$0x0]  }
0x2: {  	s1 =	rddreg [dreg:$0x1]  }
0x3: {  	s6 =	rddreg [dreg:$0x2]  }
0x4: {  	s2 =	rddreg [dreg:$0x3]  }
0x5: {  	s3 =	rddreg [dreg:$0x4]  }
0x6: {  	s5 =	srdreg.scid;
	s20 =	stileid.u32  }
0x7: {  	s4 =	simm.s32 $0x0;
	s18 =	simm.s32 $0xD;
	s22 =	simm.s32 $0x1  }
0x8: {  	s31 =	simm.s32 $0x5;
	s21 =	simm.s32 $0xA;
	s8 =	sand.u32 $0x1, s5  }
0x9: {  	s7 =	smul.u32 $0x500, s20;
	[smem:$0x7FF] =	sst s4;
	s5 =	sadd.s32 $0x1A00, s1  }
0xa: {  	s24 =	sshll.u32 s20, $0x1;
	s13 =	smul.u32 $0x280, s20;
	s15 =	sshll.u32 s20, $0x6  }
0xb: {  	p0 =	slt.u32 s20, $0x2;
	p1 =	sgt.u32 s20, $0x1;
	s9 =	sshll.u32 s8, $0x7  }
0xc: {  	_ =	strace $0x80000047;
	s23 =	ssub.s32 $0x2, s8;
	s12 =	sor.u32 s8, s24  }
0xd: {  	s28 =	sshll.u32 s8, $0x5;
	s8 =	simm.s32 $0x0;
	s7 =	sor.u32 s9, s7  }
0xe: {  	s11 =	sshrl.u32 s23, $0x1;
	s25 =	sshll.u32 s12, $0x5;
	s14 =	sadd.s32 s13, s2  }
0xf: {  	s13 =	sadd.s32 s13, s3;
	s9 =	ssub.s32 $0x9C4, s24;
	s24 =	simm.s32 $0x400  }
0x10: {  	s10 =	sshrl.u32 s7, $0x3;
	s11 =	ssub.s32 s23, s11;
	s16 =	sadd.s32 s0, s25  }
0x11: {  	s7 =	sor.u32 $0x1C0D, s15;
	s0 =	sadd.s32 s15, s0;
	s19 =	sshrl.u32 s13, $0x3  }
0x12: {  	s23 =	simm.s32 $0x80;
	s17 =	sadd.s32 $0x400, s16;
	[dreg:$0x6] =	wrdreg s16  }
0x13: {  	s1 =	sadd.s32 s10, s1;
	s6 =	sadd.s32 s6, s10;
	[dreg:$0x7] =	wrdreg s17  }
0x14: {  	s26 =	smax.u32 s11, $0x1;
	s29 =	sadd.s32 $0x800, s16;
	[dreg:$0x8] =	wrdreg s6  }
0x15: {  	s30 =	sadd.s32 $0xC00, s16;
	s0 =	sadd.s32 s28, s0;
	[dreg:$0xa] =	wrdreg s26  }
0x16: {  	s16 =	sor.u32 $0x80, s12;
	s1 =	sadd.s32 $0x1C00, s1;
	[dreg:$0xb] =	wrdreg s29  }
0x17: {  	[dreg:$0xc] =	wrdreg s30;
	s15 =	sadd.s32 $0x1000, s0;
	s17 =	sshrl.u32 s14, $0x3  }
0x18: {  	v0 =	vimm.f32 $1.000000000e+00;
	s0 =	simm.s32 $0x9;
	[dreg:$0x9] =	wrdreg s1;
	s1 =	simm.s32 $0x6  }
.LBB2_1:
0x19: {  	[tilespmem:$0x400] =	vst v0  }
0x1a: {  	[tilespmem:$0x410] =	vst v0  }
0x1b: {  	[tilespmem:$0x420] =	vst v0  }
0x1c: {  	[tilespmem:$0x430] =	vst v0  }
0x1d: {  	[tilespmem:$0x440] =	vst v0  }
0x1e: {  	[tilespmem:$0x450] =	vst v0  }
0x1f: {  	[tilespmem:$0x460] =	vst v0  }
0x20: {  	[tilespmem:$0x470] =	vst v0  }
0x21: {  	[spmem:s17], [sflag:s7] =	dma.local [hbm:s5], $0x50  }
0x22: {  	_ =	swait.ge [sflag:s18], $0x50  }
0x23: {  	[sflag:s18] =	ssyncset.done $0x0  }
0x24: {  	[sflag:s18] =	ssyncadd.s32 $0xFFFFFFB0  }
0x25: {  	[spmem:s19], [sflag:s7] =	dma.local [hbm:s5], $0x50  }
0x26: {  	_ =	swait.ge [sflag:s18], $0x50  }
0x27: {  	[sflag:s18] =	ssyncset.done $0x0  }
0x28: {  	[sflag:s18] =	ssyncadd.s32 $0xFFFFFFB0  }
0x29: {  	[bflag:$0x0] =	sbarrier.arrive $0xFFFF  }
0x2a: {  	s6 =	rddreg [dreg:$0x6]  }
0x2b: {  	[tilespmem:s4], [sflag:$0x1] =	stream.linear.gather [hbm4b:s6+s4], $0x100, $0x38;
	[tilespmem:$0x980] =	vst v63  }
0x2c: {  	s10 =	simm.s32 $0x100;
	s11 =	rddreg [dreg:$0x7]  }
0x2d: {  	[tilespmem:s10], [sflag:$0x2] =	stream.linear.gather [hbm4b:s11+s4], $0x100, $0x38;
	[tilespmem:$0x980] =	vst v63  }
0x2e: {  	s12 =	rddreg [dreg:$0xb];
	s11 =	simm.s32 $0x200  }
0x2f: {  	[tilespmem:s11], [sflag:$0x3] =	stream.linear.gather [hbm4b:s12+s4], $0x100, $0x38;
	[tilespmem:$0x980] =	vst v63  }
0x30: {  	_ =	swait.ge [sflag:s22], $0x100  }
0x31: {  	[sflag:s22] =	ssyncset.done $0x0  }
0x32: {  	[sflag:s22] =	ssyncadd.s32 $0xFFFFFF00  }
0x33: {  	[spmem:s2] =	stream.indirect.scatter.add.f32 [tilespmem:s24], [sflag:$0x5], $0x1, s4, s23, $0xb8;
	[tilespmem:$0x980] =	vst v63  }
0x34: {  	_ = 	snop  }
0x35: {  	[spmem:s3] =	stream.indirect.scatter.add.f32 [tilespmem:s24], [sflag:$0x9], $0x1, s23, s23, $0xb8;
	[tilespmem:$0x980] =	vst v63  }
0x36: {  	s14 =	simm.s32 $0x300;
	s20 =	simm.s32 $0x2;
	s13 =	rddreg [dreg:$0xc]  }
0x37: {  	[tilespmem:s14], [sflag:$0x4] =	stream.linear.gather [hbm4b:s13+s4], $0x100, $0x38;
	[tilespmem:$0x980] =	vst v63  }
0x38: {  	_ =	swait.ge [sflag:s20], $0x100  }
0x39: {  	[sflag:s20] =	ssyncset.done $0x0  }
0x3a: {  	s26 =	sadd.s32 $0x0, s16;
	[sflag:s20] =	ssyncadd.s32 $0xFFFFFF00  }
0x3b: {  	[spmem:s2] =	stream.indirect.scatter.add.f32 [tilespmem:s24], [sflag:$0x6], $0x1, s10, s23, $0xb8;
	[tilespmem:$0x980] =	vst v63  }
0x3c: {  	p3 =	sgt.u32 s26, $0x9C3;
	s10 =	simm.s32 $0x4  }
0x3d: {  	s25 =	simm.s32 $0x180;
	s6 =	sand.u32 @!p3 $0x3, s10  }
0x3e: {  	[spmem:s3] =	stream.indirect.scatter.add.f32 [tilespmem:s24], [sflag:$0xA], $0x1, s25, s23, $0xb8;
	[tilespmem:$0x980] =	vst v63  }
0x3f: {  	p2 =	sle.u32 s9, $0x40;
	s29 =	sadd.s32 $0x20, s16;
	s11 =	sadd.s32 @!p3 $0x5, s6  }
0x40: {  	s26 =	simm.s32 @!p3 $0x0;
	s12 =	simm.s32 $0x2;
	_ =	swait.ge @!p3 [sflag:s11], $0x80  }
0x41: {  	s13 =	simm.s32 $0x6;
	s20 =	sshll.u32 @!p3 s6, $0x8;
	[sflag:s11] =	ssyncset.done @!p3 $0x0  }
0x42: {  	s25 =	sadd.s32 @!p3 $0x1, s6;
	s6 =	sadd.s32 @!p3 $0x9, s6;
	[sflag:s11] =	ssyncadd.s32 @!p3 $0xFFFFFF80  }
0x43: {  	s14 =	sand.u32 $0x3, s12;
	s12 =	simm.s32 $0x20;
	_ =	swait.ge @!p3 [sflag:s6], $0x80  }
0x44: {  	s28 =	sadd.s32 @!p2 $0x1, s14;
	s10 =	simm.s32 $0x5;
	[sflag:s6] =	ssyncset.done @!p3 $0x0  }
0x45: {  	s11 =	sadd.s32 $0x400, s15;
	[sflag:s6] =	ssyncadd.s32 @!p3 $0xFFFFFF80;
	s6 =	sadd.s32 @!p2 $0x5, s14  }
0x46: {  	[tilespmem:s20], [sflag:s25] =	stream.linear.gather @!p3 [hbm4b:s15+s26], $0x100, $0x38;
	[tilespmem:$0x980] =	vst v63  }
0x47: {  	s20 =	sshll.u32 @!p2 s14, $0x8;
	s25 =	simm.s32 @!p2 $0x80;
	_ =	swait.ge @!p2 [sflag:s28], $0x100  }
0x48: {  	s26 =	simm.s32 @!p2 $0x400;
	s30 =	sor.u32 @!p2 $0x80, s20;
	[sflag:s28] =	ssyncset.done @!p2 $0x0  }
.LBB2_2:
0x49: {  	p3 =	sgt.u32 s29, $0x9C3;
	[sflag:s28] =	ssyncadd.s32 @!p2 $0xFFFFFF00;
	s14 =	sadd.s32 @!p2 $0x9, s14  }
0x4a: {  	s28 =	smov.u32 s10;
	s10 =	smov.u32 s13;
	s29 =	smov.u32 s11  }
0x4b: {  	[spmem:s2] =	stream.indirect.scatter.add.f32 @!p2 [tilespmem:s26], [sflag:s6], $0x1, s20, s25, $0xb8;
	[tilespmem:$0x980] =	vst v63  }
0x4c: {  	s13 =	sadd.s32 $0x1, s13;
	s6 =	sand.u32 @!p3 $0x3, s28  }
0x4d: {  	[spmem:s3] =	stream.indirect.scatter.add.f32 @!p2 [tilespmem:s26], [sflag:s14], $0x1, s30, s25, $0xb8;
	[tilespmem:$0x980] =	vst v63  }
0x4e: {  	s20 =	sshll.u32 @!p3 s6, $0x8;
	s14 =	sadd.s32 @!p3 $0x5, s6;
	s25 =	sadd.s32 @!p3 $0x1, s6  }
0x4f: {  	p4 =	sne.s32 s13, $0x51;
	_ =	swait.ge @!p3 [sflag:s14], $0x80  }
0x50: {  	s11 =	sadd.s32 $0x400, s11;
	[sflag:s14] =	ssyncset.done @!p3 $0x0  }
0x51: {  	s6 =	sadd.s32 @!p3 $0x9, s6;
	s26 =	sadd.s32 $0x40, s12;
	[sflag:s14] =	ssyncadd.s32 @!p3 $0xFFFFFF80  }
0x52: {  	s12 =	sadd.s32 $0x20, s12;
	s14 =	sadd.s32 $0xFFFFFFFE, s28;
	_ =	swait.ge @!p3 [sflag:s6], $0x80  }
0x53: {  	s28 =	simm.s32 @!p3 $0x0;
	s14 =	sand.u32 $0x3, s14;
	[sflag:s6] =	ssyncset.done @!p3 $0x0  }
.Ltmp0:
0x54: {  	p2 =	sge.u32 s26, s9;
	[sflag:s6] =	ssyncadd.s32 @!p3 $0xFFFFFF80;
	(pc) =	sbr.rel @p4 .LBB2_2-.Ltmp0, $4  }
0x55: {  	[tilespmem:s20], [sflag:s25] =	stream.linear.gather @!p3 [hbm4b:s29+s28], $0x100, $0x38;
	[tilespmem:$0x980] =	vst v63  }
0x56: {  	s6 =	sadd.s32 @!p2 $0x5, s14;
	s28 =	sadd.s32 @!p2 $0x1, s14;
	s20 =	sshll.u32 @!p2 s14, $0x8  }
0x57: {  	s29 =	sadd.s32 s12, s16;
	s25 =	simm.s32 @!p2 $0x80;
	_ =	swait.ge @!p2 [sflag:s28], $0x100  }
0x58: {  	s26 =	simm.s32 @!p2 $0x400;
	s30 =	sor.u32 @!p2 $0x80, s20;
	[sflag:s28] =	ssyncset.done @!p2 $0x0  }
0x59: {  	[sflag:s28] =	ssyncadd.s32 @!p2 $0xFFFFFF00  }
0x5a: {  	[spmem:s2] =	stream.indirect.scatter.add.f32 @!p2 [tilespmem:s26], [sflag:s6], $0x1, s20, s25, $0xb8;
	[tilespmem:$0x980] =	vst v63  }
0x5b: {  	s6 =	sadd.s32 @!p2 $0x9, s14  }
0x5c: {  	[spmem:s3] =	stream.indirect.scatter.add.f32 @!p2 [tilespmem:s26], [sflag:s6], $0x1, s30, s25, $0xb8;
	[tilespmem:$0x980] =	vst v63  }
0x5d: {  	p2 =	sgt.u32 s29, $0x9C3  }
0x5e: {  	s6 =	sand.u32 @!p2 $0x3, s10  }
0x5f: {  	s13 =	sadd.s32 @!p2 $0x5, s6  }
0x60: {  	_ =	swait.ge @!p2 [sflag:s13], $0x80  }
0x61: {  	[sflag:s13] =	ssyncset.done @!p2 $0x0  }
0x62: {  	s12 =	sadd.s32 $0x40, s12;
	[sflag:s13] =	ssyncadd.s32 @!p2 $0xFFFFFF80;
	s13 =	sadd.s32 @!p2 $0x9, s6  }
0x63: {  	p3 =	sge.u32 s12, s9;
	s30 =	sadd.s32 $0xFFFFFFFE, s10;
	_ =	swait.ge @!p2 [sflag:s13], $0x80  }
0x64: {  	s10 =	sand.u32 $0x3, s30;
	s12 =	simm.s32 @!p2 $0x0;
	[sflag:s13] =	ssyncset.done @!p2 $0x0  }
0x65: {  	[sflag:s13] =	ssyncadd.s32 @!p2 $0xFFFFFF80;
	s13 =	sshll.u32 @!p2 s6, $0x8;
	s6 =	sadd.s32 @!p2 $0x1, s6  }
0x66: {  	[tilespmem:s13], [sflag:s6] =	stream.linear.gather @!p2 [hbm4b:s11+s12], $0x100, $0x38;
	[tilespmem:$0x980] =	vst v63  }
0x67: {  	s6 =	sadd.s32 @!p3 $0x1, s10  }
0x68: {  	_ =	swait.ge @!p3 [sflag:s6], $0x100  }
0x69: {  	s11 =	sshll.u32 @!p3 s10, $0x8;
	s12 =	sadd.s32 @!p3 $0x5, s10;
	[sflag:s6] =	ssyncset.done @!p3 $0x0  }
0x6a: {  	s13 =	simm.s32 @!p3 $0x80;
	[sflag:s6] =	ssyncadd.s32 @!p3 $0xFFFFFF00;
	s6 =	simm.s32 @!p3 $0x400  }
0x6b: {  	[spmem:s2] =	stream.indirect.scatter.add.f32 @!p3 [tilespmem:s6], [sflag:s12], $0x1, s11, s13, $0xb8;
	[tilespmem:$0x980] =	vst v63  }
0x6c: {  	s10 =	sadd.s32 @!p3 $0x9, s10;
	s11 =	sor.u32 @!p3 $0x80, s11  }
0x6d: {  	[spmem:s3] =	stream.indirect.scatter.add.f32 @!p3 [tilespmem:s6], [sflag:s10], $0x1, s11, s13, $0xb8;
	[tilespmem:$0x980] =	vst v63  }
0x6e: {  	s6 =	simm.s32 @!p0 $0x7  }
0x6f: {  	_ =	swait.ge @!p0 [sflag:s6], $0x80  }
0x70: {  	[sflag:s6] =	ssyncset.done @!p0 $0x0  }
0x71: {  	[sflag:s6] =	ssyncadd.s32 @!p0 $0xFFFFFF80;
	s6 =	simm.s32 @!p0 $0xB  }
0x72: {  	_ =	swait.ge @!p0 [sflag:s6], $0x80  }
0x73: {  	[sflag:s6] =	ssyncset.done @!p0 $0x0  }
0x74: {  	s14 =	simm.s32 $0x8;
	[sflag:s6] =	ssyncadd.s32 @!p0 $0xFFFFFF80  }
0x75: {  	_ =	swait.ge [sflag:s14], $0x80  }
0x76: {  	[sflag:s14] =	ssyncset.done $0x0  }
0x77: {  	s20 =	simm.s32 $0xC;
	[sflag:s14] =	ssyncadd.s32 $0xFFFFFF80  }
0x78: {  	_ =	swait.ge [sflag:s20], $0x80  }
0x79: {  	[sflag:s20] =	ssyncset.done $0x0  }
0x7a: {  	[sflag:s20] =	ssyncadd.s32 $0xFFFFFF80  }
0x7b: {  	_ =	swait.ge [sflag:s31], $0x80  }
0x7c: {  	[sflag:s31] =	ssyncset.done $0x0  }
0x7d: {  	[sflag:s31] =	ssyncadd.s32 $0xFFFFFF80  }
0x7e: {  	_ =	swait.ge [sflag:s0], $0x80  }
0x7f: {  	[sflag:s0] =	ssyncset.done $0x0  }
0x80: {  	[sflag:s0] =	ssyncadd.s32 $0xFFFFFF80  }
0x81: {  	_ =	swait.ge [sflag:s1], $0x80  }
0x82: {  	[sflag:s1] =	ssyncset.done $0x0  }
0x83: {  	[sflag:s1] =	ssyncadd.s32 $0xFFFFFF80  }
0x84: {  	_ =	swait.ge [sflag:s21], $0x80  }
0x85: {  	[sflag:s21] =	ssyncset.done $0x0  }
0x86: {  	s6 =	simm.s32 @!p1 $0x7;
	[sflag:s21] =	ssyncadd.s32 $0xFFFFFF80  }
0x87: {  	_ =	swait.ge @!p1 [sflag:s6], $0x80  }
0x88: {  	[sflag:s6] =	ssyncset.done @!p1 $0x0  }
0x89: {  	[sflag:s6] =	ssyncadd.s32 @!p1 $0xFFFFFF80;
	s6 =	simm.s32 @!p1 $0xB  }
0x8a: {  	_ =	swait.ge @!p1 [sflag:s6], $0x80  }
0x8b: {  	[sflag:s6] =	ssyncset.done @!p1 $0x0  }
0x8c: {  	[sflag:s6] =	ssyncadd.s32 @!p1 $0xFFFFFF80  }
0x8d: {  	[bflag:$0x0] =	sbarrier.arrive $0xFFFF  }
0x8e: {  	s28 =	simm.s32 $0x10;
	s26 =	simm.s32 $0x20;
	s25 =	rddreg [dreg:$0x8]  }
0x8f: {  	[hbm:s25@s26], [sflag:s7] =	dma.strided [spmem:s17@s28], $0x50, s22, $0x10   }
0x90: {  	_ =	swait.ge [sflag:s18], $0x50  }
0x91: {  	[sflag:s18] =	ssyncset.done $0x0  }
0x92: {  	s29 =	rddreg [dreg:$0x9];
	[sflag:s18] =	ssyncadd.s32 $0xFFFFFFB0  }
0x93: {  	[hbm:s29@s26], [sflag:s7] =	dma.strided [spmem:s19@s28], $0x50, s22, $0x10   }
0x94: {  	_ =	swait.ge [sflag:s18], $0x50  }
0x95: {  	s8 =	sadd.s32 $0x1, s8;
	s30 =	rddreg [dreg:$0xa]  }
0x96: {  	p2 =	sne.s32 s8, s30  }
.Ltmp1:
0x97: {  	_ = 	snop;
	(pc) =	sbr.rel @p2 .LBB2_1-.Ltmp1, $3  }
0x98: {  	_ =	sdelay $0x1  }
0x99: {  	[sflag:s18] =	ssyncset.done $0x0  }
0x9a: {  	[sflag:s18] =	ssyncadd.s32 $0xFFFFFFB0  }
0x9b: {  	_ =	sfence.sel $0x180000  }
0x9c: {  	[bflag:$0x0] =	sbarrier.arrive $0xFFFF  }
0x9d: {  	_ =	strace $0x90000047  }
0x9e: {  	s0 =	stileid.u32;
	[bflag:$0x2] =	sbarrier.arrive $0xFFFF  }
0x9f: {  	p0 =	sne.s32 s0, $0x0;
	s0 =	rddreg [dreg:$0x5]  }
0xa0: {  	s0 =	sadd.s32 @!p0 $0x100000, s0  }
0xa1: {  	[sflag:s0] =	ssyncadd.tile.s32 @!p0 $0x1;
	_ =	shalt  }
.Lfunc_end2:
_tile_overlayer_lowered:
.L_overlay_start_2:
0xa2: {  	(tag) =	ssettag $0x2  }
0xa3: {  	s0 =	rddreg [dreg:$0x0];
	s2 =	stileid.u32  }
0xa4: {  	s1 =	rddreg [dreg:$0x1];
	p0 =	sne.s32 s2, $0x0  }
0xa5: {  	s3 =	rddreg [dreg:$0x2];
	[bflag:$0x3] =	sbarrier.arrive $0xFFFF;
	s2 =	simm.s32 @!p0 $0x1C0D  }
0xa6: {  	[timem:s3], [sflag:s2] =	dma.local @!p0 [hbm:s0], s1  }
0xa7: {  	s0 =	simm.s32 @!p0 $0xD  }
0xa8: {  	_ =	swait.ge @!p0 [sflag:s0], s1  }
0xa9: {  	s1 =	ssub.s32 @!p0 $0x0, s1;
	[sflag:s0] =	ssyncset.done @!p0 $0x0  }
0xaa: {  	[sflag:s0] =	ssyncadd.s32 @!p0 s1  }
0xab: {  	[bflag:$0x3] =	sbarrier.arrive $0xFFFF  }
0xac: {  	_ =	shalt  }

// kernel: kernel.9.cloned.1.call-start
scs
__scs_entry_jumppad:
0x0: {  	(pc) =	sbr.rel $0x88, $3  }
0x1: {  	(tag) =	ssettag $0x0;
	lr =	simm.s32 $0x1  }
0x2: {  	[smem:$0x3F9D] =	sst lr;
	_ =	strace $0xD0000000  }
0x3: {  	_ = 	snop  }
0x4: {  	_ = 	snop  }
0x5: {  	_ = 	snop  }
0x6: {  	_ = 	snop  }
0x7: {  	_ = 	snop  }
__scs_overlays_trampoline_lowered:
0x8: {  	[smem:$0x3FAC] =	sst s0  }
0x9: {  	[smem:$0x3FAD] =	sst s1  }
0xa: {  	[smem:$0x3FAE] =	sst s2  }
0xb: {  	[smem:$0x3FAF] =	sst s3  }
0xc: {  	[smem:$0x3FB0] =	sst s4  }
0xd: {  	[smem:$0x3FB1] =	sst s5  }
0xe: {  	[smem:$0x3FB2] =	sst s6  }
0xf: {  	[smem:$0x3FB3] =	sst s7  }
0x10: {  	[smem:$0x3FB4] =	sst s8  }
0x11: {  	[smem:$0x3FB5] =	sst s9;
	s0 =	simm.s32 @!p0 $0x0  }
0x12: {  	s1 =	sld [smem:$0x3F9B];
	s0 =	simm.s32 @p0 $0x1  }
0x13: {  	[smem:$0x3FB6] =	sst s0;
	s0 =	simm.s32 @!p1 $0x0  }
0x14: {  	s2 =	sld [smem:$0x3F9A];
	s0 =	simm.s32 @p1 $0x1  }
0x15: {  	[smem:$0x3FB7] =	sst s0;
	s0 =	simm.s32 @!p2 $0x0  }
0x16: {  	s3 =	sld [smem:$0x3FDB];
	s0 =	simm.s32 @p2 $0x1  }
0x17: {  	s4 =	simm.s32 $0x1BF5;
	[smem:$0x3FB9] =	sst s0  }
0x18: {  	s0 =	sld [smem:$0x3F9C];
	_ =	swait.ge [sflag:s4], $0x0  }
0x19: {  	s7 =	sld [smem:$0x3F9D]  }
0x1a: {  	s8 =	sadd.s32 $0xFFFFE003, lr  }
0x1b: {  	s9 =	sadd.s32 $0xFFFFFEF7, lr;
	s5 =	simm.s32 $0xFFFFFFFF;
	p2 =	slt.u32 s8, $0xFFFFF086  }
0x1c: {  	p1 =	slt.u32 s9, $0xF7A;
	s5 =	simm.s32 @!p2 $0x0  }
0x1d: {  	s5 =	simm.s32 @p1 $0x1;
	p0 =	seq.s32 s7, s2  }
0x1e: {  	s7 =	smul.u32 @!p0 $0xF7A, s2;
	p2 =	seq.s32 @!p0 s5, $0x0  }
0x1f: {  	s9 =	smul.u32 $0xF7A, s1;
	s8 =	simm.s32 @!p0 $0x1BF5;
	p2 =	por !p2, p0  }
0x20: {  	[sflag:s8] =	ssyncset.s32 @!p0 $0xFFFFF086;
	s6 =	sadd.s32 @!p0 s3, s7;
	s7 =	simm.s32 @!p0 $0x108  }
0x21: {  	s3 =	sadd.s32 s3, s9;
	s6 =	sadd.s32 @!p0 $0x88, s6;
	s7 =	simm.s32 @p2 $0x1082  }
0x22: {  	[simem:s7], [sflag:s8] =	dma.local @!p0 [hbm:s6], $0xF7A  }
0x23: {  	s9 =	sor.u32 $0xD0000000, s2;
	s6 =	simm.s32 $0x108;
	_ =	swait.ge @!p0 [sflag:s8], $0x0  }
0x24: {  	s3 =	sadd.s32 $0x88, s3;
	s6 =	simm.s32 @!p1 $0x1082;
	[sflag:s4] =	ssyncset.s32 $0xFFFFF086  }
0x25: {  	[simem:s6], [sflag:s4] =	dma.local [hbm:s3], $0xF7A  }
0x26: {  	[smem:$0x3F9D] =	sst s1;
	(tag) =	ssettag s2;
	_ =	strace s9  }
0x27: {  	s1 =	sld [smem:$0x3FAD]  }
0x28: {  	s2 =	sld [smem:$0x3FAE]  }
0x29: {  	s4 =	sld [smem:$0x3FB0]  }
0x2a: {  	p0 =	seq.s32 s5, $0x0;
	s5 =	sld [smem:$0x3FB1]  }
0x2b: {  	s6 =	sld [smem:$0x3FB2]  }
0x2c: {  	s7 =	sld [smem:$0x3FB3]  }
0x2d: {  	s3 =	simm.s32 $0x108;
	s8 =	sld [smem:$0x3FB4]  }
0x2e: {  	s3 =	simm.s32 @!p0 $0x1082;
	s9 =	sld [smem:$0x3FB5]  }
0x2f: {  	lr =	sadd.s32 s0, s3;
	s0 =	sld [smem:$0x3FAC]  }
0x30: {  	s3 =	sld [smem:$0x3FAF]  }
0x31: {  	[smem:$0x3FB8] =	sst s10  }
0x32: {  	s10 =	sld [smem:$0x3FB6];
	_ =	sdelay $0x3  }
0x33: {  	p0 =	seq.s32 s10, $0x1;
	s10 =	sld [smem:$0x3FB8];
	_ =	sdelay $0x3  }
0x34: {  	[smem:$0x3FB8] =	sst s10  }
0x35: {  	s10 =	sld [smem:$0x3FB7];
	_ =	sdelay $0x3  }
0x36: {  	p1 =	seq.s32 s10, $0x1;
	s10 =	sld [smem:$0x3FB8];
	_ =	sdelay $0x3  }
0x37: {  	[smem:$0x3FB8] =	sst s10  }
0x38: {  	s10 =	sld [smem:$0x3FB9]  }
0x39: {  	_ = 	snop;
	(pc) =	sbr.ind lr, $3  }
0x3a: {  	_ = 	snop  }
0x3b: {  	_ = 	snop  }
0x3c: {  	p2 =	seq.s32 s10, $0x1;
	s10 =	sld [smem:$0x3FB8]  }
0x3d: {  	_ =	shalt  }
0x3e: {  	_ =	shalt  }
0x3f: {  	_ =	shalt  }
0x40: {  	_ =	shalt  }
0x41: {  	_ =	shalt  }
0x42: {  	_ =	shalt  }
0x43: {  	_ =	shalt  }
0x44: {  	_ =	shalt  }
0x45: {  	_ =	shalt  }
0x46: {  	_ =	shalt  }
0x47: {  	_ =	shalt  }
0x48: {  	_ =	shalt  }
0x49: {  	_ =	shalt  }
0x4a: {  	_ =	shalt  }
0x4b: {  	_ =	shalt  }
0x4c: {  	_ =	shalt  }
0x4d: {  	_ =	shalt  }
0x4e: {  	_ =	shalt  }
0x4f: {  	_ =	shalt  }
0x50: {  	_ =	shalt  }
0x51: {  	_ =	shalt  }
0x52: {  	_ =	shalt  }
0x53: {  	_ =	shalt  }
0x54: {  	_ =	shalt  }
0x55: {  	_ =	shalt  }
0x56: {  	_ =	shalt  }
0x57: {  	_ =	shalt  }
0x58: {  	_ =	shalt  }
0x59: {  	_ =	shalt  }
0x5a: {  	_ =	shalt  }
0x5b: {  	_ =	shalt  }
0x5c: {  	_ =	shalt  }
0x5d: {  	_ =	shalt  }
0x5e: {  	_ =	shalt  }
0x5f: {  	_ =	shalt  }
0x60: {  	_ =	shalt  }
0x61: {  	_ =	shalt  }
0x62: {  	_ =	shalt  }
0x63: {  	_ =	shalt  }
0x64: {  	_ =	shalt  }
0x65: {  	_ =	shalt  }
0x66: {  	_ =	shalt  }
0x67: {  	_ =	shalt  }
0x68: {  	_ =	shalt  }
0x69: {  	_ =	shalt  }
0x6a: {  	_ =	shalt  }
0x6b: {  	_ =	shalt  }
0x6c: {  	_ =	shalt  }
0x6d: {  	_ =	shalt  }
0x6e: {  	_ =	shalt  }
0x6f: {  	_ =	shalt  }
0x70: {  	_ =	shalt  }
0x71: {  	_ =	shalt  }
0x72: {  	_ =	shalt  }
0x73: {  	_ =	shalt  }
0x74: {  	_ =	shalt  }
0x75: {  	_ =	shalt  }
0x76: {  	_ =	shalt  }
0x77: {  	_ =	shalt  }
0x78: {  	_ =	shalt  }
0x79: {  	_ =	shalt  }
0x7a: {  	_ =	shalt  }
0x7b: {  	_ =	shalt  }
0x7c: {  	_ =	shalt  }
0x7d: {  	_ =	shalt  }
0x7e: {  	_ =	shalt  }
0x7f: {  	_ =	shalt  }
0x80: {  	_ =	shalt  }
0x81: {  	_ =	shalt  }
0x82: {  	_ =	shalt  }
0x83: {  	_ =	shalt  }
0x84: {  	_ =	shalt  }
0x85: {  	_ =	shalt  }
0x86: {  	_ =	shalt  }
0x87: {  	_ =	shalt  }
.Lfunc_end0:
.L_simem_size_0:
called_computation.1_lowered:
.L_overlay_start_0:
0x88: {  	s2 =	sld [smem:$0x3FD9]  }
0x89: {  	s3 =	sld [smem:$0x3FFE];
	_ =	sdelay $0x1  }
0x8a: {  	s1 =	srdreg.scid  }
0x8b: {  	s0 =	sand.u32 $0x1, s1  }
0x8c: {  	s17 =	sshll.u32 s0, $0xA;
	s2 =	sadd.s32 s3, s2  }
0x8d: {  	s2 =	sadd.s32 s2, s17  }
0x8e: {  	[smem:$0x3FC4] =	sst s2  }
0x8f: {  	_ = 	snop  }
0x90: {  	s2 =	sld [smem:$0x3FC8]  }
0x91: {  	s18 =	sld [smem:$0x3FD0];
	(tm) =	ssettm $0x1  }
0x92: {  	s4 =	sld [smem:$0x3FFB];
	_ =	sdelay $0x3  }
0x93: {  	_ =	strace s4  }
0x94: {  	s4 =	sld [smem:$0x3FFC];
	_ =	sdelay $0x3  }
0x95: {  	_ =	strace s4  }
0x96: {  	s4 =	sld [smem:$0x3FFD];
	_ =	sdelay $0x3  }
0x97: {  	_ =	strace s4  }
0x98: {  	_ =	strace $0x8FFFFFFF  }
0x99: {  	s19 =	sld [smem:$0x3FDB];
	_ =	sdelay $0x1  }
0x9a: {  	s5 =	simm.s32 $_scs_section_size  }
0x9b: {  	s6 =	simm.s32 $_size__tile_overlayer_lowered;
	s7 =	simm.s32 $_tile_overlayer_lowered  }
0x9c: {  	s22 =	simm.s32 $0x1BFF;
	s21 =	sshll.u32 s7, $0x1;
	s4 =	sadd.s32 s5, s19  }
0x9d: {  	s8 =	simm.s32 $0x0;
	s20 =	sshll.u32 s6, $0x1;
	s6 =	sadd.s32 s21, s4  }
0x9e: {  	[timem:s8], [sflag:s22] =	dma.local [hbm:s6], s20  }
0x9f: {  	_ =	swait.ge [sflag:s22], s20  }
0xa0: {  	s5 =	ssub.s32 $0x0, s20;
	[sflag:s22] =	ssyncset.done $0x0  }
0xa1: {  	[sflag:s22] =	ssyncadd.s32 s5;
	_ =	sdelay $0x1  }
0xa2: {  	s23 =	simm.s32 $0x1B8B  }
0xa3: {  	_ =	swait.ge [sflag:s23], $0x1  }
0xa4: {  	[sflag:s23] =	ssyncset.done $0x0  }
0xa5: {  	s25 =	simm.s32 $0x1B8E;
	s24 =	sld [smem:$0x3FFE];
	[sflag:s23] =	ssyncadd.s32 $0xFFFFFFFF  }
0xa6: {  	s26 =	simm.s32 $execute0_lowered;
	[smem:$0x3FD2] =	sst s25  }
0xa7: {  	s6 =	sshll.u32 s26, $0x1;
	_ =	strace $0x80000049;
	[dreg:$0x1] =	wrdreg $0xFFFFFFFF  }
0xa8: {  	s28 =	simm.s32 $_size_execute0_lowered;
	s4 =	sadd.s32 s4, s6;
	[dreg:$0x0] =	wrdreg $0x0  }
0xa9: {  	s6 =	sshll.u32 s28, $0x1;
	[dreg:$0x2] =	wrdreg s4  }
0xaa: {  	[dreg:$0x3] =	wrdreg s6  }
0xab: {  	[dreg:$0x4] =	wrdreg $0xC0  }
0xac: {  	_ =	task [dreg:s8], $0x5FFFF  }
0xad: {  	[dreg:$0x1] =	wrdreg $0xFFFFFFFF  }
0xae: {  	[dreg:$0x0] =	wrdreg $0x60  }
0xaf: {  	[dreg:$0x2] =	wrdreg s18  }
0xb0: {  	[dreg:$0x3] =	wrdreg s2  }
0xb1: {  	[dreg:$0x4] =	wrdreg s24  }
0xb2: {  	[dreg:$0x5] =	wrdreg $0x83000  }
0xb3: {  	[dreg:$0x6] =	wrdreg $0x9  }
0xb4: {  	_ =	task.clear_ibuf [dreg:s8], $0x7FFFF;
	_ =	strace $0x90000049  }
0xb5: {  	s29 =	simm.s32 $0x9;
	_ =	strace $0x8000004B  }
0xb6: {  	_ =	swait.ge [sflag:s29], $0x1  }
0xb7: {  	[sflag:s29] =	ssyncadd.s32 $0xFFFFFFFF  }
0xb8: {  	_ =	strace $0x9000004B  }
0xb9: {  	_ =	sfence  }
0xba: {  	s30 =	sld [smem:$0x0];
	_ =	sdelay $0x2  }
0xbb: {  	s31 =	sshll.u32 s1, $0xD;
	s1 =	sshrl.u32 s1, $0x2  }
0xbc: {  	s3 =	sand.u32 $0x4000, s31;
	s1 =	sadd.s32 s1, s30  }
0xbd: {  	s0 =	sor.u32 s3, s0;
	s1 =	sshll.u32 s1, $0x11  }
0xbe: {  	s0 =	sor.u32 s1, s0  }
0xbf: {  	s0 =	sadd.s32 $0x8F2B, s0  }
0xc0: {  	[sflag:s0] =	ssyncadd.remote.s32 $0x1  }
0xc1: {  	_ =	sfence.sel $0xFFFF  }
0xc2: {  	[dreg:$0x0] =	wrdreg $0xFFFFFFFF;
	(pc) =	sbr.abs _section_cstart, $3  }
0xc3: {  	[dreg:$0x1] =	wrdreg $0xFFFFFFFF  }
0xc4: {  	_ =	task.clear_ibuf [dreg:s8], $0x2FFFF;
	_ =	strace $0x9FFFFFFF  }
0xc5: {  	(tm) =	ssettm $0x7FFFFFFF  }
tec
execute0_lowered:
.L_overlay_start_1:
0x0: {  	(tag) =	ssettag $0x1  }
0x1: {  	s0 =	rddreg [dreg:$0x0]  }
0x2: {  	s13 =	rddreg [dreg:$0x1]  }
0x3: {  	s1 =	srdreg.scid;
	s5 =	rddreg [dreg:$0x2]  }
0x4: {  	s23 =	stileid.u32;
	s3 =	rddreg [dreg:$0x3]  }
0x5: {  	s4 =	simm.s32 $0x0;
	s22 =	simm.s32 $0x7;
	s7 =	smul.u32 $0x14000, s23  }
0x6: {  	s14 =	sand.u32 $0x1, s1;
	[smem:$0x7FF] =	sst s4;
	s24 =	smul.u32 $0x50000, s23  }
0x7: {  	s16 =	sshll.u32 s23, $0x1;
	s11 =	sshll.u32 s23, $0x6;
	p0 =	slt.u32 s23, $0x2  }
0x8: {  	p1 =	sgt.u32 s23, $0x1;
	s6 =	smul.u32 $0x140000, s14;
	_ =	strace $0x8000004A  }
0x9: {  	s25 =	ssub.s32 $0x2, s14;
	s18 =	sor.u32 s14, s16;
	s19 =	sadd.s32 s11, s13  }
0xa: {  	s20 =	sshll.u32 s14, $0x5;
	s26 =	sshrl.u32 s24, $0x2;
	s28 =	sshrl.u32 s25, $0x1  }
0xb: {  	s10 =	sshll.u32 s18, $0x5;
	s30 =	sadd.s32 s20, s19;
	s31 =	sor.u32 $0x40, s18  }
0xc: {  	s18 =	simm.s32 $0x8;
	s20 =	simm.s32 $0x1;
	s6 =	sadd.s32 s7, s6  }
0xd: {  	s17 =	ssub.s32 s25, s28;
	s10 =	sadd.s32 s13, s10;
	s13 =	ssub.s32 $0x9C4, s16  }
0xe: {  	s16 =	sadd.s32 $0x800, s30;
	[dreg:$0x5] =	wrdreg s31;
	s6 =	sshrl.u32 s6, $0x3  }
0xf: {  	s12 =	sadd.s32 $0x400, s10;
	s15 =	sadd.s32 s6, s5;
	s5 =	sadd.s32 s26, s3  }
0x10: {  	s2 =	sadd.s32 $0x4000, s5;
	s29 =	sadd.s32 $0x8000, s5;
	s8 =	sadd.s32 $0xC000, s5  }
0x11: {  	s9 =	sadd.s32 $0x10000, s5;
	s14 =	sadd.s32 $0x2600, s15;
	[dreg:$0x6] =	wrdreg s2  }
0x12: {  	v0 =	vimm.f32 $0.0e+00;
	s15 =	smax.u32 s17, $0x1;
	s17 =	simm.s32 $0x300;
	[dreg:$0x7] =	wrdreg s29  }
.LBB2_1:
0x13: {  	s23 =	simm.s32 $0x0;
	s24 =	simm.s32 $0x200  }
.LBB2_2:
0x14: {  	p2 =	sne.s32 s24, $0xFE00;
	[tilespmem:s23+$0x370] =	vst v0  }
0x15: {  	[tilespmem:s23+$0x300] =	vst v0  }
0x16: {  	[tilespmem:s23+$0x310] =	vst v0  }
.Ltmp0:
0x17: {  	[tilespmem:s23+$0x320] =	vst v0;
	(pc) =	sbr.rel @p2 .LBB2_2-.Ltmp0, $4  }
0x18: {  	[tilespmem:s23+$0x330] =	vst v0  }
0x19: {  	[tilespmem:s23+$0x340] =	vst v0  }
0x1a: {  	[tilespmem:s23+$0x350] =	vst v0  }
0x1b: {  	[tilespmem:s23+$0x360] =	vst v0;
	s23 =	sshra.s32 s24, $0x2;
	s24 =	sadd.s32 $0x200, s24  }
0x1c: {  	[tilespmem:s23+$0x370] =	vst v0  }
0x1d: {  	[tilespmem:s23+$0x300] =	vst v0  }
0x1e: {  	[tilespmem:s23+$0x310] =	vst v0  }
0x1f: {  	[tilespmem:s23+$0x320] =	vst v0  }
0x20: {  	[tilespmem:s23+$0x330] =	vst v0  }
0x21: {  	[tilespmem:s23+$0x340] =	vst v0  }
0x22: {  	[tilespmem:s23+$0x350] =	vst v0  }
0x23: {  	[tilespmem:s23+$0x360] =	vst v0  }
0x24: {  	[spmem:s5] =	stream.linear.scatter [tilespmem:s17], [sflag:$0x8], $0x4000, $0x38;
	[tilespmem:$0x1C300] =	vst v63  }
0x25: {  	_ =	swait.ge [sflag:s18], $0x4000  }
0x26: {  	[sflag:s18] =	ssyncset.done $0x0  }
0x27: {  	s1 =	rddreg [dreg:$0x6];
	[sflag:s18] =	ssyncadd.s32 $0xFFFFC000  }
0x28: {  	[spmem:s1] =	stream.linear.scatter [tilespmem:s17], [sflag:$0x8], $0x4000, $0x38;
	[tilespmem:$0x1C300] =	vst v63  }
0x29: {  	_ =	swait.ge [sflag:s18], $0x4000  }
0x2a: {  	[sflag:s18] =	ssyncset.done $0x0  }
0x2b: {  	s6 =	rddreg [dreg:$0x7];
	[sflag:s18] =	ssyncadd.s32 $0xFFFFC000  }
0x2c: {  	[spmem:s6] =	stream.linear.scatter [tilespmem:s17], [sflag:$0x8], $0x4000, $0x38;
	[tilespmem:$0x1C300] =	vst v63  }
0x2d: {  	_ =	swait.ge [sflag:s18], $0x4000  }
0x2e: {  	[sflag:s18] =	ssyncset.done $0x0  }
0x2f: {  	[sflag:s18] =	ssyncadd.s32 $0xFFFFC000  }
0x30: {  	[spmem:s8] =	stream.linear.scatter [tilespmem:s17], [sflag:$0x8], $0x4000, $0x38;
	[tilespmem:$0x1C300] =	vst v63  }
0x31: {  	_ =	swait.ge [sflag:s18], $0x4000  }
0x32: {  	[sflag:s18] =	ssyncset.done $0x0  }
0x33: {  	[sflag:s18] =	ssyncadd.s32 $0xFFFFC000  }
0x34: {  	[spmem:s9] =	stream.linear.scatter [tilespmem:s17], [sflag:$0x8], $0x4000, $0x38;
	[tilespmem:$0x1C300] =	vst v63  }
0x35: {  	_ =	swait.ge [sflag:s18], $0x4000  }
0x36: {  	[sflag:s18] =	ssyncset.done $0x0  }
0x37: {  	[sflag:s18] =	ssyncadd.s32 $0xFFFFC000  }
0x38: {  	s24 =	simm.s32 $0x0;
	[bflag:$0x0] =	sbarrier.arrive $0xFFFF  }
0x39: {  	[tilespmem:s24], [sflag:$0x1] =	stream.linear.gather [hbm4b:s10+s24], $0x100, $0x38;
	[tilespmem:$0x1C300] =	vst v63  }
0x3a: {  	s7 =	simm.s32 $0x100;
	s23 =	simm.s32 $0x2  }
0x3b: {  	[tilespmem:s7], [sflag:$0x2] =	stream.linear.gather [hbm4b:s12+s24], $0x100, $0x38;
	[tilespmem:$0x1C300] =	vst v63  }
0x3c: {  	s25 =	smul.u32 $0xAB, s23;
	_ =	swait.ge [sflag:s20], $0x100  }
0x3d: {  	[sflag:s20] =	ssyncset.done $0x0  }
0x3e: {  	s19 =	simm.s32 $0x80;
	s21 =	sadd.s32 $0xFFFFFF55, s25;
	[sflag:s20] =	ssyncadd.s32 $0xFFFFFF00  }
0x3f: {  	[tilespmem:s17], [sflag:$0x4] =	stream.indirect.gather [hbm4b:s0+s19], $0x80, s24, s19, $0xb8;
	[tilespmem:$0x1C300] =	vst v63  }
0x40: {  	p2 =	sle.u32 s13, $0x20;
	s24 =	sshrl.u32 s21, $0x9  }
0x41: {  	s26 =	simm.s32 $0x1;
	p3 =	por @!p2 $0x1, $0x1;
	s24 =	sand.u32 $0x7F, s24  }
0x42: {  	s26 =	sand.u32 $0x1, s26;
	p3 =	por p3, p2;
	s24 =	smul.u32 $0x3, s24  }
0x43: {  	s30 =	sor.u32 @!p2 $0x4, s26;
	s28 =	sor.u32 @!p3 $0x6, s26;
	s29 =	sadd.s32 $0xFFFFFEAA, s25  }
0x44: {  	s26 =	sshll.u32 @!p2 s26, $0xE;
	_ =	swait.ge @!p3 [sflag:s28], $0x4000;
	s24 =	ssub.s32 $0x1, s24  }
0x45: {  	s25 =	sshrl.u32 s25, $0x9;
	[sflag:s28] =	ssyncset.done @!p3 $0x0;
	s24 =	sand.u32 $0xFF, s24  }
0x46: {  	s29 =	sshrl.u32 s29, $0x9;
	[sflag:s28] =	ssyncadd.s32 @!p3 $0xFFFFC000;
	s28 =	sadd.s32 @!p2 $0x1, s24  }
0x47: {  	s26 =	sor.u32 @!p2 $0x300, s26;
	s29 =	sand.u32 $0x7F, s29;
	_ =	swait.ge @!p2 [sflag:s28], $0x100  }
0x48: {  	s25 =	sand.u32 $0x7F, s25;
	s29 =	smul.u32 $0x3, s29;
	[sflag:s28] =	ssyncset.done @!p2 $0x0  }
0x49: {  	s24 =	sshll.u32 @!p2 s24, $0x8;
	[sflag:s28] =	ssyncadd.s32 @!p2 $0xFFFFFF00;
	s28 =	simm.s32 @!p2 $0x80  }
0x4a: {  	[tilespmem:s26], [sflag:s30] =	stream.indirect.gather @!p2 [hbm4b:s0+s28], $0x80, s24, s28, $0xb8;
	[tilespmem:$0x1C300] =	vst v63  }
0x4b: {  	s25 =	smul.u32 $0x3, s25;
	s26 =	simm.s32 $0x0  }
0x4c: {  	p2 =	sle.u32 s13, $0x0;
	s30 =	ssub.s32 $0x0, s29;
	s24 =	sand.u32 $0x1, s26  }
0x4d: {  	s25 =	ssub.s32 $0x2, s25;
	s26 =	sand.u32 $0xFF, s30;
	s28 =	sor.u32 @!p2 $0x4, s24  }
0x4e: {  	s26 =	sshll.u32 @!p2 s26, $0x8;
	s29 =	sshll.u32 @!p2 s24, $0xE;
	_ =	swait.ge @!p2 [sflag:s28], $0x4000  }
0x4f: {  	s24 =	sor.u32 @!p2 $0x6, s24;
	s29 =	sor.u32 @!p2 $0x300, s29;
	[sflag:s28] =	ssyncset.done @!p2 $0x0  }
0x50: {  	s26 =	sor.u32 @!p2 $0x80, s26;
	[sflag:s28] =	ssyncadd.s32 @!p2 $0xFFFFC000;
	s28 =	simm.s32 @!p2 $0x80  }
0x51: {  	[spmem:s3] =	stream.indirect.scatter.add.f32 @!p2 [tilespmem:s29], [sflag:s24], $0x80, s26, s28, $0xb8;
	[tilespmem:$0x1C300] =	vst v63  }
0x52: {  	s31 =	rddreg [dreg:$0x5];
	s24 =	simm.s32 $0x20;
	s29 =	sand.u32 $0xFF, s25  }
0x53: {  	s26 =	sadd.s32 $0x0, s31;
	s25 =	smov.u32 s16;
	s28 =	smov.u32 s16  }
.LBB2_4:
0x54: {  	p3 =	sgt.u32 s26, $0x9C3;
	s23 =	sadd.s32 $0x1, s23  }
0x55: {  	s25 =	sadd.s32 $0x400, s25;
	s26 =	smov.u32 s24;
	s24 =	sadd.s32 $0x20, s24  }
0x56: {  	s30 =	sshll.u32 @!p3 s29, $0x8;
	s29 =	sadd.s32 @!p3 $0x1, s29;
	s31 =	smul.u32 $0xAB, s23  }
0x57: {  	p2 =	sne.s32 s24, $0x9E0;
	s2 =	simm.s32 @!p3 $0x0;
	p4 =	sge.u32 s24, s13  }
0x58: {  	[tilespmem:s30], [sflag:s29] =	stream.linear.gather @!p3 [hbm4b:s28+s2], $0x100, $0x38;
	[tilespmem:$0x1C300] =	vst v63  }
0x59: {  	s2 =	sadd.s32 $0xFFFFFFFE, s23;
	s28 =	sadd.s32 $0xFFFFFFFF, s23;
	p3 =	sge.u32 s26, s13  }
0x5a: {  	p5 =	seq.s32 @!p4 s26, $0x0;
	s29 =	sand.u32 $0x1, s28;
	s21 =	sadd.s32 $0xFFFFFEAA, s31  }
0x5b: {  	s1 =	sadd.s32 $0xFFFFFF55, s31;
	p5 =	por p5, p4;
	s7 =	sand.u32 $0x1, s2  }
0x5c: {  	s30 =	sshrl.u32 s21, $0x9;
	s1 =	sshrl.u32 s1, $0x9;
	s19 =	sor.u32 @!p4 $0x4, s29  }
0x5d: {  	s21 =	simm.s32 @!p4 $0x80;
	s6 =	sor.u32 @!p5 $0x6, s29;
	s1 =	sand.u32 $0x7F, s1  }
0x5e: {  	s30 =	sand.u32 $0x7F, s30;
	_ =	swait.ge @!p5 [sflag:s6], $0x4000;
	s1 =	smul.u32 $0x3, s1  }
0x5f: {  	s29 =	sshll.u32 @!p4 s29, $0xE;
	s30 =	smul.u32 $0x3, s30;
	[sflag:s6] =	ssyncset.done @!p5 $0x0  }
0x60: {  	[sflag:s6] =	ssyncadd.s32 @!p5 $0xFFFFC000;
	s6 =	sor.u32 @!p3 $0x4, s7;
	s1 =	ssub.s32 s28, s1  }
0x61: {  	s28 =	sor.u32 @!p4 $0x300, s29;
	s2 =	ssub.s32 s2, s30;
	s1 =	sand.u32 $0xFF, s1  }
0x62: {  	s29 =	sshrl.u32 s31, $0x9;
	s2 =	sand.u32 $0xFF, s2;
	s30 =	sadd.s32 @!p4 $0x1, s1  }
0x63: {  	s29 =	sand.u32 $0x7F, s29;
	s1 =	sshll.u32 @!p4 s1, $0x8;
	_ =	swait.ge @!p4 [sflag:s30], $0x100  }
0x64: {  	s2 =	sshll.u32 @!p3 s2, $0x8;
	s29 =	smul.u32 $0x3, s29;
	[sflag:s30] =	ssyncset.done @!p4 $0x0  }
0x65: {  	s2 =	sor.u32 @!p3 $0x80, s2;
	[sflag:s30] =	ssyncadd.s32 @!p4 $0xFFFFFF00;
	s30 =	sshll.u32 @!p3 s7, $0xE  }
0x66: {  	[tilespmem:s28], [sflag:s19] =	stream.indirect.gather @!p4 [hbm4b:s0+s21], $0x80, s1, s21, $0xb8;
	[tilespmem:$0x1C300] =	vst v63  }
.Ltmp1:
0x67: {  	s7 =	sor.u32 @!p3 $0x6, s7;
	s1 =	sor.u32 @!p3 $0x300, s30;
	(pc) =	sbr.rel @p2 .LBB2_4-.Ltmp1, $4  }
0x68: {  	s30 =	ssub.s32 s23, s29;
	s28 =	smov.u32 s25;
	_ =	swait.ge @!p3 [sflag:s6], $0x4000  }
0x69: {  	s29 =	sand.u32 $0xFF, s30;
	s31 =	rddreg [dreg:$0x5];
	[sflag:s6] =	ssyncset.done @!p3 $0x0  }
0x6a: {  	[sflag:s6] =	ssyncadd.s32 @!p3 $0xFFFFC000;
	s6 =	simm.s32 @!p3 $0x80;
	s26 =	sadd.s32 s26, s31  }
0x6b: {  	[spmem:s3] =	stream.indirect.scatter.add.f32 @!p3 [tilespmem:s1], [sflag:s7], $0x80, s2, s6, $0xb8;
	[tilespmem:$0x1C300] =	vst v63  }
0x6c: {  	p2 =	sgt.u32 s26, $0x9C3  }
0x6d: {  	s1 =	sshll.u32 @!p2 s29, $0x8;
	s2 =	sadd.s32 @!p2 $0x1, s29;
	s6 =	simm.s32 @!p2 $0x0  }
0x6e: {  	[tilespmem:s1], [sflag:s2] =	stream.linear.gather @!p2 [hbm4b:s28+s6], $0x100, $0x38;
	[tilespmem:$0x1C300] =	vst v63  }
0x6f: {  	s1 =	simm.s32 @!p0 $0x6  }
0x70: {  	_ =	swait.ge @!p0 [sflag:s1], $0x4000  }
0x71: {  	[sflag:s1] =	ssyncset.done @!p0 $0x0  }
0x72: {  	[sflag:s1] =	ssyncadd.s32 @!p0 $0xFFFFC000  }
0x73: {  	_ =	swait.ge [sflag:s22], $0x4000  }
0x74: {  	[sflag:s22] =	ssyncset.done $0x0  }
0x75: {  	s1 =	simm.s32 @!p1 $0x6;
	[sflag:s22] =	ssyncadd.s32 $0xFFFFC000  }
0x76: {  	_ =	swait.ge @!p1 [sflag:s1], $0x4000  }
0x77: {  	s4 =	sadd.s32 $0x1, s4;
	[sflag:s1] =	ssyncset.done @!p1 $0x0  }
0x78: {  	s30 =	sor.u32 $0x1C08, s11;
	p2 =	sne.s32 s4, s15;
	[sflag:s1] =	ssyncadd.s32 @!p1 $0xFFFFC000  }
.Ltmp2:
0x79: {  	s31 =	sshrl.u32 s5, $0x3;
	[bflag:$0x0] =	sbarrier.arrive $0xFFFF;
	(pc) =	sbr.rel @p2 .LBB2_1-.Ltmp2, $4  }
0x7a: {  	[hbm:s14], [sflag:s30] =	dma.local [spmem:s31], $0x2800  }
0x7b: {  	_ =	swait.ge [sflag:s18], $0x2800  }
0x7c: {  	[sflag:s18] =	ssyncset.done $0x0  }
0x7d: {  	[sflag:s18] =	ssyncadd.s32 $0xFFFFD800  }
0x7e: {  	_ =	sfence.sel $0x180000  }
0x7f: {  	[bflag:$0x0] =	sbarrier.arrive $0xFFFF  }
0x80: {  	_ =	strace $0x9000004A  }
0x81: {  	s0 =	stileid.u32;
	[bflag:$0x2] =	sbarrier.arrive $0xFFFF  }
0x82: {  	p0 =	sne.s32 s0, $0x0;
	s0 =	rddreg [dreg:$0x4]  }
0x83: {  	s0 =	sadd.s32 @!p0 $0x100000, s0  }
0x84: {  	[sflag:s0] =	ssyncadd.tile.s32 @!p0 $0x1;
	_ =	shalt  }
.Lfunc_end2:
_tile_overlayer_lowered:
.L_overlay_start_2:
0x85: {  	(tag) =	ssettag $0x2  }
0x86: {  	s0 =	rddreg [dreg:$0x0];
	s2 =	stileid.u32  }
0x87: {  	s1 =	rddreg [dreg:$0x1];
	p0 =	sne.s32 s2, $0x0  }
0x88: {  	s3 =	rddreg [dreg:$0x2];
	[bflag:$0x3] =	sbarrier.arrive $0xFFFF;
	s2 =	simm.s32 @!p0 $0x1C08  }
0x89: {  	[timem:s3], [sflag:s2] =	dma.local @!p0 [hbm:s0], s1  }
0x8a: {  	s0 =	simm.s32 @!p0 $0x8  }
0x8b: {  	_ =	swait.ge @!p0 [sflag:s0], s1  }
0x8c: {  	s1 =	ssub.s32 @!p0 $0x0, s1;
	[sflag:s0] =	ssyncset.done @!p0 $0x0  }
0x8d: {  	[sflag:s0] =	ssyncadd.s32 @!p0 s1  }
0x8e: {  	[bflag:$0x3] =	sbarrier.arrive $0xFFFF  }
0x8f: {  	_ =	shalt  }

</sc_bundles>
